<compile_context>
chip_gen: v7x
topology: tpu7x:2x2x1
jax: 0.10.2.dev20260603
libtpu: 0.0.44.dev20260713+nightly
codegen_flags: <defaults>
</compile_context>

<pallas_src>
import jax
import jax.numpy as jnp
from jax import lax
from jax.experimental import pallas as pl
from jax.experimental.pallas import tpu as pltpu
from jax.experimental.pallas import tpu_sc as plsc

_NUM_ENTITIES = 10000
_NUM_RELATIONS = 2000
_DIM = 128
_NUM_BASES = 4
_NUM_TRIPLETS = 16000

_NC = 2
_NS = 16
_NW = _NC * _NS
_LANES = 16
_CHUNK = _NUM_TRIPLETS // _NW
_GROUPS = -(-_CHUNK // _LANES)
_CHUNK_PAD = _GROUPS * _LANES
_SFLAT = _NUM_BASES * _DIM
_OUTROW = 640
_MATCH_CAP = 2 * _CHUNK_PAD + _LANES


def _sc_body(trip_hbm, att_hbm, ent_hbm, s_out,
             src_v, rel_v, dst_v, u_v, gidx_v, arow_v,
             idx_v, rows_v, att_v, s_v, sem):
    wid = lax.axis_index("s") * _NC + lax.axis_index("c")
    lane = lax.iota(jnp.int32, _LANES)

    copies = [
        pltpu.async_copy(trip_hbm.at[0, wid], src_v, sem),
        pltpu.async_copy(trip_hbm.at[1, wid], rel_v, sem),
        pltpu.async_copy(trip_hbm.at[2, wid], dst_v, sem),
        pltpu.async_copy(
            trip_hbm.at[0, _NW - 1, pl.ds(_CHUNK_PAD - _LANES, _LANES)],
            u_v, sem),
    ]
    att_cp = pltpu.async_copy(att_hbm, att_v, sem)

    zeros16 = jnp.zeros((_LANES,), jnp.float32)

    def zbody(j, carry):
        s_v[pl.ds(pl.multiple_of(j * _LANES, _LANES), _LANES)] = zeros16
        return carry

    lax.fori_loop(0, _OUTROW // _LANES, zbody, 0)

    for c in copies:
        c.wait()
    u_vec = u_v[...]

    def group(g, n):
        base = pl.multiple_of(g * _LANES, _LANES)
        s = src_v[pl.ds(base, _LANES)]
        r = rel_v[pl.ds(base, _LANES)]
        d = dst_v[pl.ds(base, _LANES)]
        valid = (wid * _CHUNK_PAD + base + lane) < _NUM_TRIPLETS
        m1 = (d == u_vec) & valid
        m2 = (s == u_vec) & valid
        plsc.store_compressed(gidx_v.at[pl.ds(n, _LANES)], s, mask=m1)
        plsc.store_compressed(arow_v.at[pl.ds(n, _LANES)], r, mask=m1)
        n = n + jnp.sum(m1.astype(jnp.int32))
        plsc.store_compressed(gidx_v.at[pl.ds(n, _LANES)], d, mask=m2)
        plsc.store_compressed(arow_v.at[pl.ds(n, _LANES)],
                              r + _NUM_RELATIONS, mask=m2)
        n = n + jnp.sum(m2.astype(jnp.int32))
        return n

    n = lax.fori_loop(0, _GROUPS, group, jnp.int32(0), unroll=4)
    s_v[pl.ds(_SFLAT, _LANES)] = jnp.full((_LANES,), n).astype(jnp.float32)
    att_cp.wait()

    def batch(i, carry):
        base = pl.multiple_of(i * _LANES, _LANES)
        mask = (base + lane) < n
        gidx = jnp.where(mask, gidx_v[pl.ds(base, _LANES)], 0)
        arow = jnp.where(mask, arow_v[pl.ds(base, _LANES)], 0)
        idx_v[...] = gidx
        pltpu.async_copy(ent_hbm.at[idx_v], rows_v, sem).wait()
        def bbody(b, carry_b):
            a_b = plsc.load_gather(
                att_v, [jnp.full((_LANES,), 0, jnp.int32) + b, arow])
            a_b = jnp.where(mask, a_b, 0.0)

            def mbody(m, accs):
                am = jnp.sum(jnp.where(lane == m, a_b, 0.0))
                return tuple(
                    accs[j] + am * rows_v[m, pl.ds(j * _LANES, _LANES)]
                    for j in range(_DIM // _LANES))

            accs = lax.fori_loop(0, _LANES, mbody,
                                 (zeros16,) * (_DIM // _LANES))
            for j in range(_DIM // _LANES):
                plsc.addupdate(
                    s_v.at[pl.ds(b * _DIM + j * _LANES, _LANES)], accs[j])
            return carry_b

        lax.fori_loop(0, _NUM_BASES, bbody, 0)
        return carry

    lax.fori_loop(0, (n + _LANES - 1) // _LANES, batch, 0)

    pltpu.sync_copy(s_v, s_out.at[wid])


_sc_kernel = pl.kernel(
    _sc_body,
    out_type=jax.ShapeDtypeStruct((_NW, _OUTROW), jnp.float32),
    mesh=plsc.VectorSubcoreMesh(
        core_axis_name="c", subcore_axis_name="s",
        num_cores=_NC, num_subcores=_NS),
    scratch_types=[
        pltpu.VMEM((_CHUNK_PAD,), jnp.int32),
        pltpu.VMEM((_CHUNK_PAD,), jnp.int32),
        pltpu.VMEM((_CHUNK_PAD,), jnp.int32),
        pltpu.VMEM((_LANES,), jnp.int32),
        pltpu.VMEM((_MATCH_CAP,), jnp.int32),
        pltpu.VMEM((_MATCH_CAP,), jnp.int32),
        pltpu.VMEM((_LANES,), jnp.int32),
        pltpu.VMEM((_LANES, _DIM), jnp.float32),
        pltpu.VMEM((_NUM_BASES, 2 * _NUM_RELATIONS), jnp.float32),
        pltpu.VMEM((_OUTROW,), jnp.float32),
        pltpu.SemaphoreType.DMA,
    ],
    compiler_params=pltpu.CompilerParams(needs_layout_passes=False),
)


def _tc_body(s_ref, basis_ref, out_ref):
    s_sum = jnp.sum(s_ref[...], axis=0, keepdims=True)
    cnt = s_sum[0, _SFLAT]
    acc = jnp.zeros((1, _DIM), jnp.float32)
    for b in range(_NUM_BASES):
        sb = s_sum[:, b * _DIM:(b + 1) * _DIM]
        acc = acc + jnp.dot(sb, basis_ref[b],
                            preferred_element_type=jnp.float32)
    out_ref[...] = acc / jnp.maximum(cnt, 1.0)


@jax.jit
def kernel(triplets, unseen_entity, entity_embedding, basis, att):
    trip_t = jnp.pad(triplets.astype(jnp.int32).T,
                     ((0, 0), (0, _NW * _CHUNK_PAD - _NUM_TRIPLETS)),
                     constant_values=jnp.asarray(unseen_entity, jnp.int32),
                     ).reshape(3, _NW, _CHUNK_PAD)
    att_t = att.T
    s_all = _sc_kernel(trip_t, att_t, entity_embedding)
    out = pl.pallas_call(
        _tc_body,
        out_shape=jax.ShapeDtypeStruct((1, _DIM), jnp.float32),
    )(s_all, basis)
    return out.reshape(_DIM)

# --- scband reference (transcript-rebuilt; emitter-appended) ---
"""Pipeline reference for scband-induc-gen-76201309766390 (READ-ONLY COPY).

The authoritative reference and input builder live on the scoring server;
editing this copy changes nothing except your own understanding.
"""

import jax, jax.numpy as jnp
import numpy as np

NUM_ENTITIES = 10000
NUM_RELATIONS = 2000
DIM = 128
NUM_BASES = 4
NUM_TRIPLETS = 16000


def setup_inputs(seed: int = 0) -> dict:
    key = jax.random.key(seed)
    k1, k2, k3, k4 = jax.random.split(key, 4)
    triplets = jax.random.randint(k1, (NUM_TRIPLETS, 3), 0, NUM_RELATIONS, dtype=jnp.int32)
    triplets = triplets.at[0, 0].set(0)  # guarantee unseen_entity=0 appears in the subgraph
    entity_embedding = jax.random.normal(k2, (NUM_ENTITIES, DIM), dtype=jnp.float32) * 0.02
    basis = jax.random.normal(k3, (NUM_BASES, DIM, DIM), dtype=jnp.float32) * 0.05
    att = jax.random.normal(k4, (2 * NUM_RELATIONS, NUM_BASES), dtype=jnp.float32) * 0.1
    return {"triplets": triplets, "unseen_entity": 0,
            "entity_embedding": entity_embedding, "basis": basis, "att": att}


def reference(triplets, unseen_entity, entity_embedding, basis, att):
    src, rel, dst = triplets[:, 0], triplets[:, 1], triplets[:, 2]
    # work in global entity-id space; the local-id compaction in the original is
    # a pure relabeling, so aggregating by global destination id with a static
    # segment count gives the identical per-node result
    src_all = jnp.concatenate((src, dst)).astype(jnp.int32)
    dst_all = jnp.concatenate((dst, src)).astype(jnp.int32)
    rel_all = jnp.concatenate((rel, rel + NUM_RELATIONS)).astype(jnp.int32)
    # per-edge source-node gather (embedding lookup folded into the edge gather)
    x_j = jnp.take(entity_embedding, src_all, axis=0)
    # RGCN basis decomposition: w[r] = sum_b att[r, b] * basis[b];
    # msg_e = x_j[e] @ w[rel_all[e]] computed in factored form (identical math,
    # avoids materializing [E, d, d])
    xb = jnp.einsum('ed,bdf->ebf', x_j, basis)
    a = jnp.take(att, rel_all, axis=0)
    msg = jnp.einsum('eb,ebf->ef', a, xb)
    # mean aggregation by destination node (scatter-add + degree normalize)
    agg = jax.ops.segment_sum(msg, dst_all, num_segments=NUM_ENTITIES)
    cnt = jax.ops.segment_sum(jnp.ones((dst_all.shape[0],), msg.dtype), dst_all, num_segments=NUM_ENTITIES)
    embeddings = agg / jnp.clip(cnt, 1.0)[:, None]
    # dropout is identity at inference
    return jnp.take(embeddings, unseen_entity, axis=0)

if __name__ == "__main__":
    import jax
    _d = setup_inputs()
    print(jax.jit(kernel)(*tuple(_d.values())))

</pallas_src>

<mosaic_0001>
#map = affine_map<(d0, d1) -> (0, 0, 0)>
#map1 = affine_map<(d0, d1) -> (0, 0)>
module attributes {stable_mosaic.version = 14 : i64} {
  func.func @_sc_body(%arg0: i32, %arg1: i32, %arg2: memref<3x32x512xi32, #tpu.memory_space<hbm>>, %arg3: memref<4x4000xf32, #tpu.memory_space<hbm>>, %arg4: memref<10000x128xf32, #tpu.memory_space<hbm>>, %arg5: memref<32x640xf32, #tpu.memory_space<hbm>>, %arg6: memref<512xi32, #tpu.memory_space<vmem>>, %arg7: memref<512xi32, #tpu.memory_space<vmem>>, %arg8: memref<512xi32, #tpu.memory_space<vmem>>, %arg9: memref<16xi32, #tpu.memory_space<vmem>>, %arg10: memref<1040xi32, #tpu.memory_space<vmem>>, %arg11: memref<1040xi32, #tpu.memory_space<vmem>>, %arg12: memref<16xi32, #tpu.memory_space<vmem>>, %arg13: memref<16x128xf32, #tpu.memory_space<vmem>>, %arg14: memref<4x4000xf32, #tpu.memory_space<vmem>>, %arg15: memref<640xf32, #tpu.memory_space<vmem>>, %arg16: memref<!tpu.dma_semaphore, #tpu.memory_space<semaphore_mem>>) attributes {dimension_semantics = [#tpu.dimension_semantics<core_parallel>, #tpu.dimension_semantics<subcore_parallel>], iteration_bounds = array<i64: 2, 16>, scalar_prefetch = 0 : i64, scratch_operands = 11 : i64, tpu.core_type = #tpu.core_type<sc_vector_subcore>, window_params = [{transform_indices = #map}, {transform_indices = #map1}, {transform_indices = #map1}, {transform_indices = #map1}]} {
    %mul3A = arith.constant 2 : i32
    %mul3A_0 = arith.muli %arg1, %mul3A : i32
    %add3A = arith.addi %mul3A_0, %arg0 : i32
    %iota3A = tpu.iota {dimensions = array<i32: 0>} : vector<16xi32>
    %dma_start3A = arith.constant 0 : i32
    %dma_start3A_1 = arith.constant 0 : i32
    %dma_start3A_2 = tpu.memref_slice %arg2[%dma_start3A, %add3A, %dma_start3A_1] : memref<3x32x512xi32, #tpu.memory_space<hbm>> -> memref<1x1x512xi32, #tpu.memory_space<hbm>>
    %dma_start3A_3 = tpu.memref_squeeze %dma_start3A_2 : memref<1x1x512xi32, #tpu.memory_space<hbm>> -> memref<512xi32, #tpu.memory_space<hbm>>
    %dma_start3A_4 = arith.constant 0 : i32
    %dma_start3A_5 = tpu.memref_slice %arg2[%dma_start3A, %add3A, %dma_start3A_4] : memref<3x32x512xi32, #tpu.memory_space<hbm>> -> memref<1x1x512xi32, #tpu.memory_space<hbm>>
    %dma_start3A_6 = tpu.memref_squeeze %dma_start3A_5 : memref<1x1x512xi32, #tpu.memory_space<hbm>> -> memref<512xi32, #tpu.memory_space<hbm>>
    tpu.enqueue_dma source(%dma_start3A_6 : memref<512xi32, #tpu.memory_space<hbm>>) target(%arg6 : memref<512xi32, #tpu.memory_space<vmem>>) target_semaphore(%arg16 : memref<!tpu.dma_semaphore, #tpu.memory_space<semaphore_mem>>)
    %dma_start3A_7 = arith.constant 1 : i32
    %dma_start3A_8 = arith.constant 0 : i32
    %dma_start3A_9 = tpu.memref_slice %arg2[%dma_start3A_7, %add3A, %dma_start3A_8] : memref<3x32x512xi32, #tpu.memory_space<hbm>> -> memref<1x1x512xi32, #tpu.memory_space<hbm>>
    %dma_start3A_10 = tpu.memref_squeeze %dma_start3A_9 : memref<1x1x512xi32, #tpu.memory_space<hbm>> -> memref<512xi32, #tpu.memory_space<hbm>>
    %dma_start3A_11 = arith.constant 0 : i32
    %dma_start3A_12 = tpu.memref_slice %arg2[%dma_start3A_7, %add3A, %dma_start3A_11] : memref<3x32x512xi32, #tpu.memory_space<hbm>> -> memref<1x1x512xi32, #tpu.memory_space<hbm>>
    %dma_start3A_13 = tpu.memref_squeeze %dma_start3A_12 : memref<1x1x512xi32, #tpu.memory_space<hbm>> -> memref<512xi32, #tpu.memory_space<hbm>>
    tpu.enqueue_dma source(%dma_start3A_13 : memref<512xi32, #tpu.memory_space<hbm>>) target(%arg7 : memref<512xi32, #tpu.memory_space<vmem>>) target_semaphore(%arg16 : memref<!tpu.dma_semaphore, #tpu.memory_space<semaphore_mem>>)
    %dma_start3A_14 = arith.constant 2 : i32
    %dma_start3A_15 = arith.constant 0 : i32
    %dma_start3A_16 = tpu.memref_slice %arg2[%dma_start3A_14, %add3A, %dma_start3A_15] : memref<3x32x512xi32, #tpu.memory_space<hbm>> -> memref<1x1x512xi32, #tpu.memory_space<hbm>>
    %dma_start3A_17 = tpu.memref_squeeze %dma_start3A_16 : memref<1x1x512xi32, #tpu.memory_space<hbm>> -> memref<512xi32, #tpu.memory_space<hbm>>
    %dma_start3A_18 = arith.constant 0 : i32
    %dma_start3A_19 = tpu.memref_slice %arg2[%dma_start3A_14, %add3A, %dma_start3A_18] : memref<3x32x512xi32, #tpu.memory_space<hbm>> -> memref<1x1x512xi32, #tpu.memory_space<hbm>>
    %dma_start3A_20 = tpu.memref_squeeze %dma_start3A_19 : memref<1x1x512xi32, #tpu.memory_space<hbm>> -> memref<512xi32, #tpu.memory_space<hbm>>
    tpu.enqueue_dma source(%dma_start3A_20 : memref<512xi32, #tpu.memory_space<hbm>>) target(%arg8 : memref<512xi32, #tpu.memory_space<vmem>>) target_semaphore(%arg16 : memref<!tpu.dma_semaphore, #tpu.memory_space<semaphore_mem>>)
    %dma_start3A_21 = arith.constant 0 : i32
    %dma_start3A_22 = arith.constant 31 : i32
    %dma_start3A_23 = arith.constant 496 : i32
    %dma_start3A_24 = tpu.memref_slice %arg2[%dma_start3A_21, %dma_start3A_22, %dma_start3A_23] : memref<3x32x512xi32, #tpu.memory_space<hbm>> -> memref<1x1x16xi32, #tpu.memory_space<hbm>>
    %dma_start3A_25 = tpu.memref_squeeze %dma_start3A_24 : memref<1x1x16xi32, #tpu.memory_space<hbm>> -> memref<16xi32, #tpu.memory_space<hbm>>
    %dma_start3A_26 = arith.constant 496 : i32
    %dma_start3A_27 = tpu.memref_slice %arg2[%dma_start3A_21, %dma_start3A_22, %dma_start3A_26] : memref<3x32x512xi32, #tpu.memory_space<hbm>> -> memref<1x1x16xi32, #tpu.memory_space<hbm>>
    %dma_start3A_28 = tpu.memref_squeeze %dma_start3A_27 : memref<1x1x16xi32, #tpu.memory_space<hbm>> -> memref<16xi32, #tpu.memory_space<hbm>>
    tpu.enqueue_dma source(%dma_start3A_28 : memref<16xi32, #tpu.memory_space<hbm>>) target(%arg9 : memref<16xi32, #tpu.memory_space<vmem>>) target_semaphore(%arg16 : memref<!tpu.dma_semaphore, #tpu.memory_space<semaphore_mem>>)
    tpu.enqueue_dma source(%arg3 : memref<4x4000xf32, #tpu.memory_space<hbm>>) target(%arg14 : memref<4x4000xf32, #tpu.memory_space<vmem>>) target_semaphore(%arg16 : memref<!tpu.dma_semaphore, #tpu.memory_space<semaphore_mem>>)
    %broadcast_in_dim3A = arith.constant 0.000000e+00 : f32
    %broadcast_in_dim3A_29 = vector.broadcast %broadcast_in_dim3A : f32 to vector<16xf32>
    %scan3A = arith.constant 0 : i32
    %scan3A_30 = arith.constant 0 : i32
    %scan3A_31 = arith.constant 40 : i32
    %scan3A_32 = arith.addi %scan3A_30, %scan3A_31 : i32
    %scan3A_33 = arith.constant 1 : i32
    scf.for %scan3A_102 = %scan3A_30 to %scan3A_32 step %scan3A_33  : i32 {
      %mul3A_103 = arith.constant 16 : i32
      %mul3A_104 = arith.muli %scan3A_102, %mul3A_103 : i32
      %multiple_of3A = tpu.assume_multiple %mul3A_104, 16 : i32
      %swap3A_105 = arith.index_cast %multiple_of3A : i32 to index
      %swap3A_106 = tpu.vector_load %arg15[%swap3A_105] {strides = array<i32>} : memref<640xf32, #tpu.memory_space<vmem>>, vector<16xf32>,
      tpu.vector_store %arg15[%swap3A_105], %broadcast_in_dim3A_29 {strides = array<i32>} : memref<640xf32, #tpu.memory_space<vmem>>, vector<16xf32>,
    }
    %scan3A_34 = arith.constant 40 : i32
    %dma_wait3A = arith.constant 0 : i32
    %dma_wait3A_35 = arith.constant 0 : i32
    %dma_wait3A_36 = tpu.memref_slice %arg2[%dma_wait3A, %add3A, %dma_wait3A_35] : memref<3x32x512xi32, #tpu.memory_space<hbm>> -> memref<1x1x512xi32, #tpu.memory_space<hbm>>
    %dma_wait3A_37 = tpu.memref_squeeze %dma_wait3A_36 : memref<1x1x512xi32, #tpu.memory_space<hbm>> -> memref<512xi32, #tpu.memory_space<hbm>>
    %dma_wait3A_38 = arith.constant 0 : i32
    %dma_wait3A_39 = tpu.memref_slice %arg2[%dma_wait3A, %add3A, %dma_wait3A_38] : memref<3x32x512xi32, #tpu.memory_space<hbm>> -> memref<1x1x512xi32, #tpu.memory_space<hbm>>
    %dma_wait3A_40 = tpu.memref_squeeze %dma_wait3A_39 : memref<1x1x512xi32, #tpu.memory_space<hbm>> -> memref<512xi32, #tpu.memory_space<hbm>>
    tpu.wait_dma2 semaphore(%arg16 : memref<!tpu.dma_semaphore, #tpu.memory_space<semaphore_mem>>) src(%dma_wait3A_40 : memref<512xi32, #tpu.memory_space<hbm>>) dst(%arg6 : memref<512xi32, #tpu.memory_space<vmem>>)
    %dma_wait3A_41 = arith.constant 1 : i32
    %dma_wait3A_42 = arith.constant 0 : i32
    %dma_wait3A_43 = tpu.memref_slice %arg2[%dma_wait3A_41, %add3A, %dma_wait3A_42] : memref<3x32x512xi32, #tpu.memory_space<hbm>> -> memref<1x1x512xi32, #tpu.memory_space<hbm>>
    %dma_wait3A_44 = tpu.memref_squeeze %dma_wait3A_43 : memref<1x1x512xi32, #tpu.memory_space<hbm>> -> memref<512xi32, #tpu.memory_space<hbm>>
    %dma_wait3A_45 = arith.constant 0 : i32
    %dma_wait3A_46 = tpu.memref_slice %arg2[%dma_wait3A_41, %add3A, %dma_wait3A_45] : memref<3x32x512xi32, #tpu.memory_space<hbm>> -> memref<1x1x512xi32, #tpu.memory_space<hbm>>
    %dma_wait3A_47 = tpu.memref_squeeze %dma_wait3A_46 : memref<1x1x512xi32, #tpu.memory_space<hbm>> -> memref<512xi32, #tpu.memory_space<hbm>>
    tpu.wait_dma2 semaphore(%arg16 : memref<!tpu.dma_semaphore, #tpu.memory_space<semaphore_mem>>) src(%dma_wait3A_47 : memref<512xi32, #tpu.memory_space<hbm>>) dst(%arg7 : memref<512xi32, #tpu.memory_space<vmem>>)
    %dma_wait3A_48 = arith.constant 2 : i32
    %dma_wait3A_49 = arith.constant 0 : i32
    %dma_wait3A_50 = tpu.memref_slice %arg2[%dma_wait3A_48, %add3A, %dma_wait3A_49] : memref<3x32x512xi32, #tpu.memory_space<hbm>> -> memref<1x1x512xi32, #tpu.memory_space<hbm>>
    %dma_wait3A_51 = tpu.memref_squeeze %dma_wait3A_50 : memref<1x1x512xi32, #tpu.memory_space<hbm>> -> memref<512xi32, #tpu.memory_space<hbm>>
    %dma_wait3A_52 = arith.constant 0 : i32
    %dma_wait3A_53 = tpu.memref_slice %arg2[%dma_wait3A_48, %add3A, %dma_wait3A_52] : memref<3x32x512xi32, #tpu.memory_space<hbm>> -> memref<1x1x512xi32, #tpu.memory_space<hbm>>
    %dma_wait3A_54 = tpu.memref_squeeze %dma_wait3A_53 : memref<1x1x512xi32, #tpu.memory_space<hbm>> -> memref<512xi32, #tpu.memory_space<hbm>>
    tpu.wait_dma2 semaphore(%arg16 : memref<!tpu.dma_semaphore, #tpu.memory_space<semaphore_mem>>) src(%dma_wait3A_54 : memref<512xi32, #tpu.memory_space<hbm>>) dst(%arg8 : memref<512xi32, #tpu.memory_space<vmem>>)
    %dma_wait3A_55 = arith.constant 0 : i32
    %dma_wait3A_56 = arith.constant 31 : i32
    %dma_wait3A_57 = arith.constant 496 : i32
    %dma_wait3A_58 = tpu.memref_slice %arg2[%dma_wait3A_55, %dma_wait3A_56, %dma_wait3A_57] : memref<3x32x512xi32, #tpu.memory_space<hbm>> -> memref<1x1x16xi32, #tpu.memory_space<hbm>>
    %dma_wait3A_59 = tpu.memref_squeeze %dma_wait3A_58 : memref<1x1x16xi32, #tpu.memory_space<hbm>> -> memref<16xi32, #tpu.memory_space<hbm>>
    %dma_wait3A_60 = arith.constant 496 : i32
    %dma_wait3A_61 = tpu.memref_slice %arg2[%dma_wait3A_55, %dma_wait3A_56, %dma_wait3A_60] : memref<3x32x512xi32, #tpu.memory_space<hbm>> -> memref<1x1x16xi32, #tpu.memory_space<hbm>>
    %dma_wait3A_62 = tpu.memref_squeeze %dma_wait3A_61 : memref<1x1x16xi32, #tpu.memory_space<hbm>> -> memref<16xi32, #tpu.memory_space<hbm>>
    tpu.wait_dma2 semaphore(%arg16 : memref<!tpu.dma_semaphore, #tpu.memory_space<semaphore_mem>>) src(%dma_wait3A_62 : memref<16xi32, #tpu.memory_space<hbm>>) dst(%arg9 : memref<16xi32, #tpu.memory_space<vmem>>)
    %get3A = arith.constant 0 : index
    %get3A_63 = tpu.vector_load %arg9[%get3A] {strides = array<i32>} : memref<16xi32, #tpu.memory_space<vmem>>, vector<16xi32>,
    %scan3A_64 = arith.constant 0 : i32
    %scan3A_65 = arith.constant 0 : i32
    %scan3A_66 = arith.constant 32 : i32
    %scan3A_67 = arith.addi %scan3A_65, %scan3A_66 : i32
    %scan3A_68 = arith.constant 4 : i32
    %scan3A_69 = scf.for %scan3A_102 = %scan3A_65 to %scan3A_67 step %scan3A_68 iter_args(%scan3A_103 = %scan3A_64) -> (i32)  : i32 {
      %mul3A_104 = arith.constant 16 : i32
      %mul3A_105 = arith.muli %scan3A_102, %mul3A_104 : i32
      %multiple_of3A = tpu.assume_multiple %mul3A_105, 16 : i32
      %get3A_106 = arith.index_cast %multiple_of3A : i32 to index
      %get3A_107 = tpu.vector_load %arg6[%get3A_106] {strides = array<i32>} : memref<512xi32, #tpu.memory_space<vmem>>, vector<16xi32>,
      %get3A_108 = arith.index_cast %multiple_of3A : i32 to index
      %get3A_109 = tpu.vector_load %arg7[%get3A_108] {strides = array<i32>} : memref<512xi32, #tpu.memory_space<vmem>>, vector<16xi32>,
      %get3A_110 = arith.index_cast %multiple_of3A : i32 to index
      %get3A_111 = tpu.vector_load %arg8[%get3A_110] {strides = array<i32>} : memref<512xi32, #tpu.memory_space<vmem>>, vector<16xi32>,
      %mul3A_112 = arith.constant 512 : i32
      %mul3A_113 = arith.muli %add3A, %mul3A_112 : i32
      %add3A_114 = arith.addi %mul3A_113, %multiple_of3A : i32
      %add3A_115 = vector.broadcast %add3A_114 : i32 to vector<16xi32>
      %add3A_116 = arith.addi %add3A_115, %iota3A : vector<16xi32>
      %lt3A = arith.constant 16000 : i32
      %lt3A_117 = vector.broadcast %lt3A : i32 to vector<16xi32>
      %lt3A_118 = arith.cmpi slt, %add3A_116, %lt3A_117 : vector<16xi32>
      %eq3A = arith.cmpi eq, %get3A_111, %get3A_63 : vector<16xi32>
      %and3A_119 = arith.andi %eq3A, %lt3A_118 : vector<16xi1>
      %eq3A_120 = arith.cmpi eq, %get3A_107, %get3A_63 : vector<16xi32>
      %and3A_121 = arith.andi %eq3A_120, %lt3A_118 : vector<16xi1>
      %swap3A_122 = arith.index_cast %scan3A_103 : i32 to index
      %swap3A_123 = tpu.vector_load %arg10[%swap3A_122] masked %and3A_119 {strides = array<i32>} : memref<1040xi32, #tpu.memory_space<vmem>>, vector<16xi32>, vector<16xi1>
      tpu.vector_store %arg10[%swap3A_122], %get3A_107 masked %and3A_119 {strides = array<i32>} : memref<1040xi32, #tpu.memory_space<vmem>>, vector<16xi32>, vector<16xi1>
      %swap3A_124 = arith.index_cast %scan3A_103 : i32 to index
      %swap3A_125 = tpu.vector_load %arg11[%swap3A_124] masked %and3A_119 {strides = array<i32>} : memref<1040xi32, #tpu.memory_space<vmem>>, vector<16xi32>, vector<16xi1>
      tpu.vector_store %arg11[%swap3A_124], %get3A_109 masked %and3A_119 {strides = array<i32>} : memref<1040xi32, #tpu.memory_space<vmem>>, vector<16xi32>, vector<16xi1>
      %convert_element_type3A_126 = arith.extui %and3A_119 : vector<16xi1> to vector<16xi32>
      %reduce_sum3A = arith.constant true
      %reduce_sum3A_127 = vector.broadcast %reduce_sum3A : i1 to vector<16xi1>
      %reduce_sum3A_128 = tpu.scan <sum>, %convert_element_type3A_126 masked %reduce_sum3A_127 : vector<16xi32>, vector<16xi1> -> vector<16xi32>
      %reduce_sum3A_129 = vector.extract %reduce_sum3A_128[15] : i32 from vector<16xi32>
      %add3A_130 = arith.addi %scan3A_103, %reduce_sum3A_129 : i32
      %swap3A_131 = arith.index_cast %add3A_130 : i32 to index
      %swap3A_132 = tpu.vector_load %arg10[%swap3A_131] masked %and3A_121 {strides = array<i32>} : memref<1040xi32, #tpu.memory_space<vmem>>, vector<16xi32>, vector<16xi1>
      tpu.vector_store %arg10[%swap3A_131], %get3A_111 masked %and3A_121 {strides = array<i32>} : memref<1040xi32, #tpu.memory_space<vmem>>, vector<16xi32>, vector<16xi1>
      %add3A_133 = arith.constant 2000 : i32
      %add3A_134 = vector.broadcast %add3A_133 : i32 to vector<16xi32>
      %add3A_135 = arith.addi %get3A_109, %add3A_134 : vector<16xi32>
      %swap3A_136 = arith.index_cast %add3A_130 : i32 to index
      %swap3A_137 = tpu.vector_load %arg11[%swap3A_136] masked %and3A_121 {strides = array<i32>} : memref<1040xi32, #tpu.memory_space<vmem>>, vector<16xi32>, vector<16xi1>
      tpu.vector_store %arg11[%swap3A_136], %add3A_135 masked %and3A_121 {strides = array<i32>} : memref<1040xi32, #tpu.memory_space<vmem>>, vector<16xi32>, vector<16xi1>
      %convert_element_type3A_138 = arith.extui %and3A_121 : vector<16xi1> to vector<16xi32>
      %reduce_sum3A_139 = arith.constant true
      %reduce_sum3A_140 = vector.broadcast %reduce_sum3A_139 : i1 to vector<16xi1>
      %reduce_sum3A_141 = tpu.scan <sum>, %convert_element_type3A_138 masked %reduce_sum3A_140 : vector<16xi32>, vector<16xi1> -> vector<16xi32>
      %reduce_sum3A_142 = vector.extract %reduce_sum3A_141[15] : i32 from vector<16xi32>
      %add3A_143 = arith.addi %add3A_130, %reduce_sum3A_142 : i32
      %scan3A_144 = arith.constant 1 : i32
      %scan3A_145 = arith.addi %scan3A_102, %scan3A_144 : i32
      %mul3A_146 = arith.constant 16 : i32
      %mul3A_147 = arith.muli %scan3A_145, %mul3A_146 : i32
      %multiple_of3A_148 = tpu.assume_multiple %mul3A_147, 16 : i32
      %get3A_149 = arith.index_cast %multiple_of3A_148 : i32 to index
      %get3A_150 = tpu.vector_load %arg6[%get3A_149] {strides = array<i32>} : memref<512xi32, #tpu.memory_space<vmem>>, vector<16xi32>,
      %get3A_151 = arith.index_cast %multiple_of3A_148 : i32 to index
      %get3A_152 = tpu.vector_load %arg7[%get3A_151] {strides = array<i32>} : memref<512xi32, #tpu.memory_space<vmem>>, vector<16xi32>,
      %get3A_153 = arith.index_cast %multiple_of3A_148 : i32 to index
      %get3A_154 = tpu.vector_load %arg8[%get3A_153] {strides = array<i32>} : memref<512xi32, #tpu.memory_space<vmem>>, vector<16xi32>,
      %mul3A_155 = arith.constant 512 : i32
      %mul3A_156 = arith.muli %add3A, %mul3A_155 : i32
      %add3A_157 = arith.addi %mul3A_156, %multiple_of3A_148 : i32
      %add3A_158 = vector.broadcast %add3A_157 : i32 to vector<16xi32>
      %add3A_159 = arith.addi %add3A_158, %iota3A : vector<16xi32>
      %lt3A_160 = arith.constant 16000 : i32
      %lt3A_161 = vector.broadcast %lt3A_160 : i32 to vector<16xi32>
      %lt3A_162 = arith.cmpi slt, %add3A_159, %lt3A_161 : vector<16xi32>
      %eq3A_163 = arith.cmpi eq, %get3A_154, %get3A_63 : vector<16xi32>
      %and3A_164 = arith.andi %eq3A_163, %lt3A_162 : vector<16xi1>
      %eq3A_165 = arith.cmpi eq, %get3A_150, %get3A_63 : vector<16xi32>
      %and3A_166 = arith.andi %eq3A_165, %lt3A_162 : vector<16xi1>
      %swap3A_167 = arith.index_cast %add3A_143 : i32 to index
      %swap3A_168 = tpu.vector_load %arg10[%swap3A_167] masked %and3A_164 {strides = array<i32>} : memref<1040xi32, #tpu.memory_space<vmem>>, vector<16xi32>, vector<16xi1>
      tpu.vector_store %arg10[%swap3A_167], %get3A_150 masked %and3A_164 {strides = array<i32>} : memref<1040xi32, #tpu.memory_space<vmem>>, vector<16xi32>, vector<16xi1>
      %swap3A_169 = arith.index_cast %add3A_143 : i32 to index
      %swap3A_170 = tpu.vector_load %arg11[%swap3A_169] masked %and3A_164 {strides = array<i32>} : memref<1040xi32, #tpu.memory_space<vmem>>, vector<16xi32>, vector<16xi1>
      tpu.vector_store %arg11[%swap3A_169], %get3A_152 masked %and3A_164 {strides = array<i32>} : memref<1040xi32, #tpu.memory_space<vmem>>, vector<16xi32>, vector<16xi1>
      %convert_element_type3A_171 = arith.extui %and3A_164 : vector<16xi1> to vector<16xi32>
      %reduce_sum3A_172 = arith.constant true
      %reduce_sum3A_173 = vector.broadcast %reduce_sum3A_172 : i1 to vector<16xi1>
      %reduce_sum3A_174 = tpu.scan <sum>, %convert_element_type3A_171 masked %reduce_sum3A_173 : vector<16xi32>, vector<16xi1> -> vector<16xi32>
      %reduce_sum3A_175 = vector.extract %reduce_sum3A_174[15] : i32 from vector<16xi32>
      %add3A_176 = arith.addi %add3A_143, %reduce_sum3A_175 : i32
      %swap3A_177 = arith.index_cast %add3A_176 : i32 to index
      %swap3A_178 = tpu.vector_load %arg10[%swap3A_177] masked %and3A_166 {strides = array<i32>} : memref<1040xi32, #tpu.memory_space<vmem>>, vector<16xi32>, vector<16xi1>
      tpu.vector_store %arg10[%swap3A_177], %get3A_154 masked %and3A_166 {strides = array<i32>} : memref<1040xi32, #tpu.memory_space<vmem>>, vector<16xi32>, vector<16xi1>
      %add3A_179 = arith.constant 2000 : i32
      %add3A_180 = vector.broadcast %add3A_179 : i32 to vector<16xi32>
      %add3A_181 = arith.addi %get3A_152, %add3A_180 : vector<16xi32>
      %swap3A_182 = arith.index_cast %add3A_176 : i32 to index
      %swap3A_183 = tpu.vector_load %arg11[%swap3A_182] masked %and3A_166 {strides = array<i32>} : memref<1040xi32, #tpu.memory_space<vmem>>, vector<16xi32>, vector<16xi1>
      tpu.vector_store %arg11[%swap3A_182], %add3A_181 masked %and3A_166 {strides = array<i32>} : memref<1040xi32, #tpu.memory_space<vmem>>, vector<16xi32>, vector<16xi1>
      %convert_element_type3A_184 = arith.extui %and3A_166 : vector<16xi1> to vector<16xi32>
      %reduce_sum3A_185 = arith.constant true
      %reduce_sum3A_186 = vector.broadcast %reduce_sum3A_185 : i1 to vector<16xi1>
      %reduce_sum3A_187 = tpu.scan <sum>, %convert_element_type3A_184 masked %reduce_sum3A_186 : vector<16xi32>, vector<16xi1> -> vector<16xi32>
      %reduce_sum3A_188 = vector.extract %reduce_sum3A_187[15] : i32 from vector<16xi32>
      %add3A_189 = arith.addi %add3A_176, %reduce_sum3A_188 : i32
      %scan3A_190 = arith.constant 2 : i32
      %scan3A_191 = arith.addi %scan3A_102, %scan3A_190 : i32
      %mul3A_192 = arith.constant 16 : i32
      %mul3A_193 = arith.muli %scan3A_191, %mul3A_192 : i32
      %multiple_of3A_194 = tpu.assume_multiple %mul3A_193, 16 : i32
      %get3A_195 = arith.index_cast %multiple_of3A_194 : i32 to index
      %get3A_196 = tpu.vector_load %arg6[%get3A_195] {strides = array<i32>} : memref<512xi32, #tpu.memory_space<vmem>>, vector<16xi32>,
      %get3A_197 = arith.index_cast %multiple_of3A_194 : i32 to index
      %get3A_198 = tpu.vector_load %arg7[%get3A_197] {strides = array<i32>} : memref<512xi32, #tpu.memory_space<vmem>>, vector<16xi32>,
      %get3A_199 = arith.index_cast %multiple_of3A_194 : i32 to index
      %get3A_200 = tpu.vector_load %arg8[%get3A_199] {strides = array<i32>} : memref<512xi32, #tpu.memory_space<vmem>>, vector<16xi32>,
      %mul3A_201 = arith.constant 512 : i32
      %mul3A_202 = arith.muli %add3A, %mul3A_201 : i32
      %add3A_203 = arith.addi %mul3A_202, %multiple_of3A_194 : i32
      %add3A_204 = vector.broadcast %add3A_203 : i32 to vector<16xi32>
      %add3A_205 = arith.addi %add3A_204, %iota3A : vector<16xi32>
      %lt3A_206 = arith.constant 16000 : i32
      %lt3A_207 = vector.broadcast %lt3A_206 : i32 to vector<16xi32>
      %lt3A_208 = arith.cmpi slt, %add3A_205, %lt3A_207 : vector<16xi32>
      %eq3A_209 = arith.cmpi eq, %get3A_200, %get3A_63 : vector<16xi32>
      %and3A_210 = arith.andi %eq3A_209, %lt3A_208 : vector<16xi1>
      %eq3A_211 = arith.cmpi eq, %get3A_196, %get3A_63 : vector<16xi32>
      %and3A_212 = arith.andi %eq3A_211, %lt3A_208 : vector<16xi1>
      %swap3A_213 = arith.index_cast %add3A_189 : i32 to index
      %swap3A_214 = tpu.vector_load %arg10[%swap3A_213] masked %and3A_210 {strides = array<i32>} : memref<1040xi32, #tpu.memory_space<vmem>>, vector<16xi32>, vector<16xi1>
      tpu.vector_store %arg10[%swap3A_213], %get3A_196 masked %and3A_210 {strides = array<i32>} : memref<1040xi32, #tpu.memory_space<vmem>>, vector<16xi32>, vector<16xi1>
      %swap3A_215 = arith.index_cast %add3A_189 : i32 to index
      %swap3A_216 = tpu.vector_load %arg11[%swap3A_215] masked %and3A_210 {strides = array<i32>} : memref<1040xi32, #tpu.memory_space<vmem>>, vector<16xi32>, vector<16xi1>
      tpu.vector_store %arg11[%swap3A_215], %get3A_198 masked %and3A_210 {strides = array<i32>} : memref<1040xi32, #tpu.memory_space<vmem>>, vector<16xi32>, vector<16xi1>
      %convert_element_type3A_217 = arith.extui %and3A_210 : vector<16xi1> to vector<16xi32>
      %reduce_sum3A_218 = arith.constant true
      %reduce_sum3A_219 = vector.broadcast %reduce_sum3A_218 : i1 to vector<16xi1>
      %reduce_sum3A_220 = tpu.scan <sum>, %convert_element_type3A_217 masked %reduce_sum3A_219 : vector<16xi32>, vector<16xi1> -> vector<16xi32>
      %reduce_sum3A_221 = vector.extract %reduce_sum3A_220[15] : i32 from vector<16xi32>
      %add3A_222 = arith.addi %add3A_189, %reduce_sum3A_221 : i32
      %swap3A_223 = arith.index_cast %add3A_222 : i32 to index
      %swap3A_224 = tpu.vector_load %arg10[%swap3A_223] masked %and3A_212 {strides = array<i32>} : memref<1040xi32, #tpu.memory_space<vmem>>, vector<16xi32>, vector<16xi1>
      tpu.vector_store %arg10[%swap3A_223], %get3A_200 masked %and3A_212 {strides = array<i32>} : memref<1040xi32, #tpu.memory_space<vmem>>, vector<16xi32>, vector<16xi1>
      %add3A_225 = arith.constant 2000 : i32
      %add3A_226 = vector.broadcast %add3A_225 : i32 to vector<16xi32>
      %add3A_227 = arith.addi %get3A_198, %add3A_226 : vector<16xi32>
      %swap3A_228 = arith.index_cast %add3A_222 : i32 to index
      %swap3A_229 = tpu.vector_load %arg11[%swap3A_228] masked %and3A_212 {strides = array<i32>} : memref<1040xi32, #tpu.memory_space<vmem>>, vector<16xi32>, vector<16xi1>
      tpu.vector_store %arg11[%swap3A_228], %add3A_227 masked %and3A_212 {strides = array<i32>} : memref<1040xi32, #tpu.memory_space<vmem>>, vector<16xi32>, vector<16xi1>
      %convert_element_type3A_230 = arith.extui %and3A_212 : vector<16xi1> to vector<16xi32>
      %reduce_sum3A_231 = arith.constant true
      %reduce_sum3A_232 = vector.broadcast %reduce_sum3A_231 : i1 to vector<16xi1>
      %reduce_sum3A_233 = tpu.scan <sum>, %convert_element_type3A_230 masked %reduce_sum3A_232 : vector<16xi32>, vector<16xi1> -> vector<16xi32>
      %reduce_sum3A_234 = vector.extract %reduce_sum3A_233[15] : i32 from vector<16xi32>
      %add3A_235 = arith.addi %add3A_222, %reduce_sum3A_234 : i32
      %scan3A_236 = arith.constant 3 : i32
      %scan3A_237 = arith.addi %scan3A_102, %scan3A_236 : i32
      %mul3A_238 = arith.constant 16 : i32
      %mul3A_239 = arith.muli %scan3A_237, %mul3A_238 : i32
      %multiple_of3A_240 = tpu.assume_multiple %mul3A_239, 16 : i32
      %get3A_241 = arith.index_cast %multiple_of3A_240 : i32 to index
      %get3A_242 = tpu.vector_load %arg6[%get3A_241] {strides = array<i32>} : memref<512xi32, #tpu.memory_space<vmem>>, vector<16xi32>,
      %get3A_243 = arith.index_cast %multiple_of3A_240 : i32 to index
      %get3A_244 = tpu.vector_load %arg7[%get3A_243] {strides = array<i32>} : memref<512xi32, #tpu.memory_space<vmem>>, vector<16xi32>,
      %get3A_245 = arith.index_cast %multiple_of3A_240 : i32 to index
      %get3A_246 = tpu.vector_load %arg8[%get3A_245] {strides = array<i32>} : memref<512xi32, #tpu.memory_space<vmem>>, vector<16xi32>,
      %mul3A_247 = arith.constant 512 : i32
      %mul3A_248 = arith.muli %add3A, %mul3A_247 : i32
      %add3A_249 = arith.addi %mul3A_248, %multiple_of3A_240 : i32
      %add3A_250 = vector.broadcast %add3A_249 : i32 to vector<16xi32>
      %add3A_251 = arith.addi %add3A_250, %iota3A : vector<16xi32>
      %lt3A_252 = arith.constant 16000 : i32
      %lt3A_253 = vector.broadcast %lt3A_252 : i32 to vector<16xi32>
      %lt3A_254 = arith.cmpi slt, %add3A_251, %lt3A_253 : vector<16xi32>
      %eq3A_255 = arith.cmpi eq, %get3A_246, %get3A_63 : vector<16xi32>
      %and3A_256 = arith.andi %eq3A_255, %lt3A_254 : vector<16xi1>
      %eq3A_257 = arith.cmpi eq, %get3A_242, %get3A_63 : vector<16xi32>
      %and3A_258 = arith.andi %eq3A_257, %lt3A_254 : vector<16xi1>
      %swap3A_259 = arith.index_cast %add3A_235 : i32 to index
      %swap3A_260 = tpu.vector_load %arg10[%swap3A_259] masked %and3A_256 {strides = array<i32>} : memref<1040xi32, #tpu.memory_space<vmem>>, vector<16xi32>, vector<16xi1>
      tpu.vector_store %arg10[%swap3A_259], %get3A_242 masked %and3A_256 {strides = array<i32>} : memref<1040xi32, #tpu.memory_space<vmem>>, vector<16xi32>, vector<16xi1>
      %swap3A_261 = arith.index_cast %add3A_235 : i32 to index
      %swap3A_262 = tpu.vector_load %arg11[%swap3A_261] masked %and3A_256 {strides = array<i32>} : memref<1040xi32, #tpu.memory_space<vmem>>, vector<16xi32>, vector<16xi1>
      tpu.vector_store %arg11[%swap3A_261], %get3A_244 masked %and3A_256 {strides = array<i32>} : memref<1040xi32, #tpu.memory_space<vmem>>, vector<16xi32>, vector<16xi1>
      %convert_element_type3A_263 = arith.extui %and3A_256 : vector<16xi1> to vector<16xi32>
      %reduce_sum3A_264 = arith.constant true
      %reduce_sum3A_265 = vector.broadcast %reduce_sum3A_264 : i1 to vector<16xi1>
      %reduce_sum3A_266 = tpu.scan <sum>, %convert_element_type3A_263 masked %reduce_sum3A_265 : vector<16xi32>, vector<16xi1> -> vector<16xi32>
      %reduce_sum3A_267 = vector.extract %reduce_sum3A_266[15] : i32 from vector<16xi32>
      %add3A_268 = arith.addi %add3A_235, %reduce_sum3A_267 : i32
      %swap3A_269 = arith.index_cast %add3A_268 : i32 to index
      %swap3A_270 = tpu.vector_load %arg10[%swap3A_269] masked %and3A_258 {strides = array<i32>} : memref<1040xi32, #tpu.memory_space<vmem>>, vector<16xi32>, vector<16xi1>
      tpu.vector_store %arg10[%swap3A_269], %get3A_246 masked %and3A_258 {strides = array<i32>} : memref<1040xi32, #tpu.memory_space<vmem>>, vector<16xi32>, vector<16xi1>
      %add3A_271 = arith.constant 2000 : i32
      %add3A_272 = vector.broadcast %add3A_271 : i32 to vector<16xi32>
      %add3A_273 = arith.addi %get3A_244, %add3A_272 : vector<16xi32>
      %swap3A_274 = arith.index_cast %add3A_268 : i32 to index
      %swap3A_275 = tpu.vector_load %arg11[%swap3A_274] masked %and3A_258 {strides = array<i32>} : memref<1040xi32, #tpu.memory_space<vmem>>, vector<16xi32>, vector<16xi1>
      tpu.vector_store %arg11[%swap3A_274], %add3A_273 masked %and3A_258 {strides = array<i32>} : memref<1040xi32, #tpu.memory_space<vmem>>, vector<16xi32>, vector<16xi1>
      %convert_element_type3A_276 = arith.extui %and3A_258 : vector<16xi1> to vector<16xi32>
      %reduce_sum3A_277 = arith.constant true
      %reduce_sum3A_278 = vector.broadcast %reduce_sum3A_277 : i1 to vector<16xi1>
      %reduce_sum3A_279 = tpu.scan <sum>, %convert_element_type3A_276 masked %reduce_sum3A_278 : vector<16xi32>, vector<16xi1> -> vector<16xi32>
      %reduce_sum3A_280 = vector.extract %reduce_sum3A_279[15] : i32 from vector<16xi32>
      %add3A_281 = arith.addi %add3A_268, %reduce_sum3A_280 : i32
      scf.yield %add3A_281 : i32
    }
    %scan3A_70 = arith.constant 32 : i32
    %broadcast_in_dim3A_71 = vector.broadcast %scan3A_69 : i32 to vector<16xi32>
    %convert_element_type3A = arith.sitofp %broadcast_in_dim3A_71 : vector<16xi32> to vector<16xf32>
    %swap3A = arith.constant 512 : index
    %swap3A_72 = tpu.vector_load %arg15[%swap3A] {strides = array<i32>} : memref<640xf32, #tpu.memory_space<vmem>>, vector<16xf32>,
    tpu.vector_store %arg15[%swap3A], %convert_element_type3A {strides = array<i32>} : memref<640xf32, #tpu.memory_space<vmem>>, vector<16xf32>,
    tpu.wait_dma2 semaphore(%arg16 : memref<!tpu.dma_semaphore, #tpu.memory_space<semaphore_mem>>) src(%arg3 : memref<4x4000xf32, #tpu.memory_space<hbm>>) dst(%arg14 : memref<4x4000xf32, #tpu.memory_space<vmem>>)
    %add3A_73 = arith.constant 16 : i32
    %add3A_74 = arith.addi %scan3A_69, %add3A_73 : i32
    %sub3A = arith.constant 1 : i32
    %sub3A_75 = arith.subi %add3A_74, %sub3A : i32
    %jit3A = arith.constant 16 : i32
    %div3A = arith.divsi %sub3A_75, %jit3A : i32
    %sign3A = arith.constant 0 : i32
    %sign3A_76 = arith.cmpi sgt, %sub3A_75, %sign3A : i32
    %sign3A_77 = arith.extui %sign3A_76 : i1 to i32
    %sign3A_78 = arith.constant 0 : i32
    %sign3A_79 = arith.cmpi slt, %sub3A_75, %sign3A_78 : i32
    %sign3A_80 = arith.extui %sign3A_79 : i1 to i32
    %sign3A_81 = arith.subi %sign3A_77, %sign3A_80 : i32
    %sign3A_82 = arith.constant 0 : i32
    %sign3A_83 = arith.cmpi sgt, %jit3A, %sign3A_82 : i32
    %sign3A_84 = arith.extui %sign3A_83 : i1 to i32
    %sign3A_85 = arith.constant 0 : i32
    %sign3A_86 = arith.cmpi slt, %jit3A, %sign3A_85 : i32
    %sign3A_87 = arith.extui %sign3A_86 : i1 to i32
    %sign3A_88 = arith.subi %sign3A_84, %sign3A_87 : i32
    %ne3A = arith.cmpi ne, %sign3A_81, %sign3A_88 : i32
    %rem3A = arith.remsi %sub3A_75, %jit3A : i32
    %ne3A_89 = arith.constant 0 : i32
    %ne3A_90 = arith.cmpi ne, %rem3A, %ne3A_89 : i32
    %and3A = arith.andi %ne3A, %ne3A_90 : i1
    %sub3A_91 = arith.constant 1 : i32
    %sub3A_92 = arith.subi %div3A, %sub3A_91 : i32
    %select_n3A = arith.select %and3A, %sub3A_92, %div3A : i32
    %while3A = arith.constant 0 : i32
    %while3A_93 = arith.constant 0 : i32
    %while3A_94 = arith.subi %select_n3A, %while3A_93 : i32
    %while3A_95 = arith.addi %while3A_93, %while3A_94 : i32
    %while3A_96 = arith.constant 1 : i32
    %while3A_97 = arith.divsi %while3A_94, %while3A_96 : i32
    %while3A_98 = arith.muli %while3A_97, %while3A_96 : i32
    %while3A_99 = arith.addi %while3A_93, %while3A_98 : i32
    %while3A_100 = arith.constant 1 : i32
    scf.for %while3A_102 = %while3A_93 to %while3A_99 step %while3A_100  : i32 {
      %mul3A_103 = arith.constant 16 : i32
      %mul3A_104 = arith.muli %while3A_102, %mul3A_103 : i32
      %multiple_of3A = tpu.assume_multiple %mul3A_104, 16 : i32
      %add3A_105 = vector.broadcast %multiple_of3A : i32 to vector<16xi32>
      %add3A_106 = arith.addi %add3A_105, %iota3A : vector<16xi32>
      %lt3A = vector.broadcast %scan3A_69 : i32 to vector<16xi32>
      %lt3A_107 = arith.cmpi slt, %add3A_106, %lt3A : vector<16xi32>
      %get3A_108 = arith.index_cast %multiple_of3A : i32 to index
      %get3A_109 = tpu.vector_load %arg10[%get3A_108] {strides = array<i32>} : memref<1040xi32, #tpu.memory_space<vmem>>, vector<16xi32>,
      %jit3A_110 = arith.constant 0 : i32
      %broadcast_in_dim3A_111 = vector.broadcast %jit3A_110 : i32 to vector<16xi32>
      %select_n3A_112 = arith.select %lt3A_107, %get3A_109, %broadcast_in_dim3A_111 : vector<16xi1>, vector<16xi32>
      %get3A_113 = arith.index_cast %multiple_of3A : i32 to index
      %get3A_114 = tpu.vector_load %arg11[%get3A_113] {strides = array<i32>} : memref<1040xi32, #tpu.memory_space<vmem>>, vector<16xi32>,
      %jit3A_115 = arith.constant 0 : i32
      %broadcast_in_dim3A_116 = vector.broadcast %jit3A_115 : i32 to vector<16xi32>
      %select_n3A_117 = arith.select %lt3A_107, %get3A_114, %broadcast_in_dim3A_116 : vector<16xi1>, vector<16xi32>
      %swap3A_118 = arith.constant 0 : index
      %swap3A_119 = tpu.vector_load %arg12[%swap3A_118] {strides = array<i32>} : memref<16xi32, #tpu.memory_space<vmem>>, vector<16xi32>,
      tpu.vector_store %arg12[%swap3A_118], %select_n3A_112 {strides = array<i32>} : memref<16xi32, #tpu.memory_space<vmem>>, vector<16xi32>,
      %dma_start3A_120 = arith.constant 0 : i32
      %dma_start3A_121 = arith.constant 0 : i32
      %dma_start3A_122 = tpu.memref_slice %arg4[%dma_start3A_120, %dma_start3A_121] : memref<10000x128xf32, #tpu.memory_space<hbm>> -> memref<10000x128xf32, #tpu.memory_space<hbm>>
      tpu.enqueue_indirect_dma source(%dma_start3A_122 : memref<10000x128xf32, #tpu.memory_space<hbm>>) target(%arg13 : memref<16x128xf32, #tpu.memory_space<vmem>>) offsets(%arg12 : memref<16xi32, #tpu.memory_space<vmem>>) semaphore(%arg16 : memref<!tpu.dma_semaphore, #tpu.memory_space<semaphore_mem>>)
      %dma_wait3A_123 = arith.constant 0 : i32
      %dma_wait3A_124 = arith.constant 0 : i32
      %dma_wait3A_125 = tpu.memref_slice %arg4[%dma_wait3A_123, %dma_wait3A_124] : memref<10000x128xf32, #tpu.memory_space<hbm>> -> memref<10000x128xf32, #tpu.memory_space<hbm>>
      tpu.wait_indirect_dma semaphore(%arg16 : memref<!tpu.dma_semaphore, #tpu.memory_space<semaphore_mem>>) src(%dma_wait3A_125 : memref<10000x128xf32, #tpu.memory_space<hbm>>) dst(%arg13 : memref<16x128xf32, #tpu.memory_space<vmem>>)
      %scan3A_126 = arith.constant 0 : i32
      %scan3A_127 = arith.constant 0 : i32
      %scan3A_128 = arith.constant 4 : i32
      %scan3A_129 = arith.addi %scan3A_127, %scan3A_128 : i32
      %scan3A_130 = arith.constant 1 : i32
      scf.for %scan3A_132 = %scan3A_127 to %scan3A_129 step %scan3A_130  : i32 {
        %broadcast_in_dim3A_133 = arith.constant 0 : i32
        %broadcast_in_dim3A_134 = vector.broadcast %broadcast_in_dim3A_133 : i32 to vector<16xi32>
        %add3A_135 = vector.broadcast %scan3A_132 : i32 to vector<16xi32>
        %add3A_136 = arith.addi %broadcast_in_dim3A_134, %add3A_135 : vector<16xi32>
        %gather3A = tpu.vector_load_idx %arg14[%add3A_136, %select_n3A_117] : memref<4x4000xf32, #tpu.memory_space<vmem>>[vector<16xi32>, vector<16xi32>], vector<16xf32>,
        %jit3A_137 = arith.constant 0.000000e+00 : f32
        %broadcast_in_dim3A_138 = vector.broadcast %jit3A_137 : f32 to vector<16xf32>
        %select_n3A_139 = arith.select %lt3A_107, %gather3A, %broadcast_in_dim3A_138 : vector<16xi1>, vector<16xf32>
        %scan3A_140 = arith.constant 0 : i32
        %scan3A_141 = arith.constant 16 : i32
        %scan3A_142 = arith.addi %scan3A_140, %scan3A_141 : i32
        %scan3A_143 = arith.constant 1 : i32
        %scan3A_144:8 = scf.for %scan3A_194 = %scan3A_140 to %scan3A_142 step %scan3A_143 iter_args(%scan3A_195 = %broadcast_in_dim3A_29, %scan3A_196 = %broadcast_in_dim3A_29, %scan3A_197 = %broadcast_in_dim3A_29, %scan3A_198 = %broadcast_in_dim3A_29, %scan3A_199 = %broadcast_in_dim3A_29, %scan3A_200 = %broadcast_in_dim3A_29, %scan3A_201 = %broadcast_in_dim3A_29, %scan3A_202 = %broadcast_in_dim3A_29) -> (vector<16xf32>, vector<16xf32>, vector<16xf32>, vector<16xf32>, vector<16xf32>, vector<16xf32>, vector<16xf32>, vector<16xf32>)  : i32 {
          %eq3A = vector.broadcast %scan3A_194 : i32 to vector<16xi32>
          %eq3A_203 = arith.cmpi eq, %iota3A, %eq3A : vector<16xi32>
          %jit3A_204 = arith.constant 0.000000e+00 : f32
          %broadcast_in_dim3A_205 = vector.broadcast %jit3A_204 : f32 to vector<16xf32>
          %select_n3A_206 = arith.select %eq3A_203, %select_n3A_139, %broadcast_in_dim3A_205 : vector<16xi1>, vector<16xf32>
          %reduce_sum3A = arith.constant true
          %reduce_sum3A_207 = vector.broadcast %reduce_sum3A : i1 to vector<16xi1>
          %reduce_sum3A_208 = tpu.scan <sum>, %select_n3A_206 masked %reduce_sum3A_207 : vector<16xf32>, vector<16xi1> -> vector<16xf32>
          %reduce_sum3A_209 = vector.extract %reduce_sum3A_208[15] : f32 from vector<16xf32>
          %get3A_210 = arith.index_cast %scan3A_194 : i32 to index
          %get3A_211 = arith.constant 0 : index
          %get3A_212 = tpu.vector_load %arg13[%get3A_210, %get3A_211] {strides = array<i32>} : memref<16x128xf32, #tpu.memory_space<vmem>>, vector<16xf32>,
          %mul3A_213 = vector.broadcast %reduce_sum3A_209 : f32 to vector<16xf32>
          %mul3A_214 = arith.mulf %mul3A_213, %get3A_212 : vector<16xf32>
          %add3A_215 = arith.addf %scan3A_195, %mul3A_214 : vector<16xf32>
          %get3A_216 = arith.index_cast %scan3A_194 : i32 to index
          %get3A_217 = arith.constant 16 : index
          %get3A_218 = tpu.vector_load %arg13[%get3A_216, %get3A_217] {strides = array<i32>} : memref<16x128xf32, #tpu.memory_space<vmem>>, vector<16xf32>,
          %mul3A_219 = vector.broadcast %reduce_sum3A_209 : f32 to vector<16xf32>
          %mul3A_220 = arith.mulf %mul3A_219, %get3A_218 : vector<16xf32>
          %add3A_221 = arith.addf %scan3A_196, %mul3A_220 : vector<16xf32>
          %get3A_222 = arith.index_cast %scan3A_194 : i32 to index
          %get3A_223 = arith.constant 32 : index
          %get3A_224 = tpu.vector_load %arg13[%get3A_222, %get3A_223] {strides = array<i32>} : memref<16x128xf32, #tpu.memory_space<vmem>>, vector<16xf32>,
          %mul3A_225 = vector.broadcast %reduce_sum3A_209 : f32 to vector<16xf32>
          %mul3A_226 = arith.mulf %mul3A_225, %get3A_224 : vector<16xf32>
          %add3A_227 = arith.addf %scan3A_197, %mul3A_226 : vector<16xf32>
          %get3A_228 = arith.index_cast %scan3A_194 : i32 to index
          %get3A_229 = arith.constant 48 : index
          %get3A_230 = tpu.vector_load %arg13[%get3A_228, %get3A_229] {strides = array<i32>} : memref<16x128xf32, #tpu.memory_space<vmem>>, vector<16xf32>,
          %mul3A_231 = vector.broadcast %reduce_sum3A_209 : f32 to vector<16xf32>
          %mul3A_232 = arith.mulf %mul3A_231, %get3A_230 : vector<16xf32>
          %add3A_233 = arith.addf %scan3A_198, %mul3A_232 : vector<16xf32>
          %get3A_234 = arith.index_cast %scan3A_194 : i32 to index
          %get3A_235 = arith.constant 64 : index
          %get3A_236 = tpu.vector_load %arg13[%get3A_234, %get3A_235] {strides = array<i32>} : memref<16x128xf32, #tpu.memory_space<vmem>>, vector<16xf32>,
          %mul3A_237 = vector.broadcast %reduce_sum3A_209 : f32 to vector<16xf32>
          %mul3A_238 = arith.mulf %mul3A_237, %get3A_236 : vector<16xf32>
          %add3A_239 = arith.addf %scan3A_199, %mul3A_238 : vector<16xf32>
          %get3A_240 = arith.index_cast %scan3A_194 : i32 to index
          %get3A_241 = arith.constant 80 : index
          %get3A_242 = tpu.vector_load %arg13[%get3A_240, %get3A_241] {strides = array<i32>} : memref<16x128xf32, #tpu.memory_space<vmem>>, vector<16xf32>,
          %mul3A_243 = vector.broadcast %reduce_sum3A_209 : f32 to vector<16xf32>
          %mul3A_244 = arith.mulf %mul3A_243, %get3A_242 : vector<16xf32>
          %add3A_245 = arith.addf %scan3A_200, %mul3A_244 : vector<16xf32>
          %get3A_246 = arith.index_cast %scan3A_194 : i32 to index
          %get3A_247 = arith.constant 96 : index
          %get3A_248 = tpu.vector_load %arg13[%get3A_246, %get3A_247] {strides = array<i32>} : memref<16x128xf32, #tpu.memory_space<vmem>>, vector<16xf32>,
          %mul3A_249 = vector.broadcast %reduce_sum3A_209 : f32 to vector<16xf32>
          %mul3A_250 = arith.mulf %mul3A_249, %get3A_248 : vector<16xf32>
          %add3A_251 = arith.addf %scan3A_201, %mul3A_250 : vector<16xf32>
          %get3A_252 = arith.index_cast %scan3A_194 : i32 to index
          %get3A_253 = arith.constant 112 : index
          %get3A_254 = tpu.vector_load %arg13[%get3A_252, %get3A_253] {strides = array<i32>} : memref<16x128xf32, #tpu.memory_space<vmem>>, vector<16xf32>,
          %mul3A_255 = vector.broadcast %reduce_sum3A_209 : f32 to vector<16xf32>
          %mul3A_256 = arith.mulf %mul3A_255, %get3A_254 : vector<16xf32>
          %add3A_257 = arith.addf %scan3A_202, %mul3A_256 : vector<16xf32>
          scf.yield %add3A_215, %add3A_221, %add3A_227, %add3A_233, %add3A_239, %add3A_245, %add3A_251, %add3A_257 : vector<16xf32>, vector<16xf32>, vector<16xf32>, vector<16xf32>, vector<16xf32>, vector<16xf32>, vector<16xf32>, vector<16xf32>
        }
        %scan3A_145 = arith.constant 16 : i32
        %mul3A_146 = arith.constant 128 : i32
        %mul3A_147 = arith.muli %scan3A_132, %mul3A_146 : i32
        %add3A_148 = arith.constant 0 : i32
        %add3A_149 = arith.addi %mul3A_147, %add3A_148 : i32
        %swap3A_150 = arith.index_cast %add3A_149 : i32 to index
        %swap3A_151 = tpu.vector_load %arg15[%swap3A_150] {strides = array<i32>} : memref<640xf32, #tpu.memory_space<vmem>>, vector<16xf32>,
        tpu.vector_store %arg15[%swap3A_150], %scan3A_144#0 {add = true, strides = array<i32>} : memref<640xf32, #tpu.memory_space<vmem>>, vector<16xf32>,
        %mul3A_152 = arith.constant 128 : i32
        %mul3A_153 = arith.muli %scan3A_132, %mul3A_152 : i32
        %add3A_154 = arith.constant 16 : i32
        %add3A_155 = arith.addi %mul3A_153, %add3A_154 : i32
        %swap3A_156 = arith.index_cast %add3A_155 : i32 to index
        %swap3A_157 = tpu.vector_load %arg15[%swap3A_156] {strides = array<i32>} : memref<640xf32, #tpu.memory_space<vmem>>, vector<16xf32>,
        tpu.vector_store %arg15[%swap3A_156], %scan3A_144#1 {add = true, strides = array<i32>} : memref<640xf32, #tpu.memory_space<vmem>>, vector<16xf32>,
        %mul3A_158 = arith.constant 128 : i32
        %mul3A_159 = arith.muli %scan3A_132, %mul3A_158 : i32
        %add3A_160 = arith.constant 32 : i32
        %add3A_161 = arith.addi %mul3A_159, %add3A_160 : i32
        %swap3A_162 = arith.index_cast %add3A_161 : i32 to index
        %swap3A_163 = tpu.vector_load %arg15[%swap3A_162] {strides = array<i32>} : memref<640xf32, #tpu.memory_space<vmem>>, vector<16xf32>,
        tpu.vector_store %arg15[%swap3A_162], %scan3A_144#2 {add = true, strides = array<i32>} : memref<640xf32, #tpu.memory_space<vmem>>, vector<16xf32>,
        %mul3A_164 = arith.constant 128 : i32
        %mul3A_165 = arith.muli %scan3A_132, %mul3A_164 : i32
        %add3A_166 = arith.constant 48 : i32
        %add3A_167 = arith.addi %mul3A_165, %add3A_166 : i32
        %swap3A_168 = arith.index_cast %add3A_167 : i32 to index
        %swap3A_169 = tpu.vector_load %arg15[%swap3A_168] {strides = array<i32>} : memref<640xf32, #tpu.memory_space<vmem>>, vector<16xf32>,
        tpu.vector_store %arg15[%swap3A_168], %scan3A_144#3 {add = true, strides = array<i32>} : memref<640xf32, #tpu.memory_space<vmem>>, vector<16xf32>,
        %mul3A_170 = arith.constant 128 : i32
        %mul3A_171 = arith.muli %scan3A_132, %mul3A_170 : i32
        %add3A_172 = arith.constant 64 : i32
        %add3A_173 = arith.addi %mul3A_171, %add3A_172 : i32
        %swap3A_174 = arith.index_cast %add3A_173 : i32 to index
        %swap3A_175 = tpu.vector_load %arg15[%swap3A_174] {strides = array<i32>} : memref<640xf32, #tpu.memory_space<vmem>>, vector<16xf32>,
        tpu.vector_store %arg15[%swap3A_174], %scan3A_144#4 {add = true, strides = array<i32>} : memref<640xf32, #tpu.memory_space<vmem>>, vector<16xf32>,
        %mul3A_176 = arith.constant 128 : i32
        %mul3A_177 = arith.muli %scan3A_132, %mul3A_176 : i32
        %add3A_178 = arith.constant 80 : i32
        %add3A_179 = arith.addi %mul3A_177, %add3A_178 : i32
        %swap3A_180 = arith.index_cast %add3A_179 : i32 to index
        %swap3A_181 = tpu.vector_load %arg15[%swap3A_180] {strides = array<i32>} : memref<640xf32, #tpu.memory_space<vmem>>, vector<16xf32>,
        tpu.vector_store %arg15[%swap3A_180], %scan3A_144#5 {add = true, strides = array<i32>} : memref<640xf32, #tpu.memory_space<vmem>>, vector<16xf32>,
        %mul3A_182 = arith.constant 128 : i32
        %mul3A_183 = arith.muli %scan3A_132, %mul3A_182 : i32
        %add3A_184 = arith.constant 96 : i32
        %add3A_185 = arith.addi %mul3A_183, %add3A_184 : i32
        %swap3A_186 = arith.index_cast %add3A_185 : i32 to index
        %swap3A_187 = tpu.vector_load %arg15[%swap3A_186] {strides = array<i32>} : memref<640xf32, #tpu.memory_space<vmem>>, vector<16xf32>,
        tpu.vector_store %arg15[%swap3A_186], %scan3A_144#6 {add = true, strides = array<i32>} : memref<640xf32, #tpu.memory_space<vmem>>, vector<16xf32>,
        %mul3A_188 = arith.constant 128 : i32
        %mul3A_189 = arith.muli %scan3A_132, %mul3A_188 : i32
        %add3A_190 = arith.constant 112 : i32
        %add3A_191 = arith.addi %mul3A_189, %add3A_190 : i32
        %swap3A_192 = arith.index_cast %add3A_191 : i32 to index
        %swap3A_193 = tpu.vector_load %arg15[%swap3A_192] {strides = array<i32>} : memref<640xf32, #tpu.memory_space<vmem>>, vector<16xf32>,
        tpu.vector_store %arg15[%swap3A_192], %scan3A_144#7 {add = true, strides = array<i32>} : memref<640xf32, #tpu.memory_space<vmem>>, vector<16xf32>,
      }
      %scan3A_131 = arith.constant 4 : i32
    }
    %while3A_101 = arith.constant 1 : i32
    scf.for %while3A_102 = %while3A_99 to %while3A_95 step %while3A_101  : i32 {
      %mul3A_103 = arith.constant 16 : i32
      %mul3A_104 = arith.muli %while3A_102, %mul3A_103 : i32
      %multiple_of3A = tpu.assume_multiple %mul3A_104, 16 : i32
      %add3A_105 = vector.broadcast %multiple_of3A : i32 to vector<16xi32>
      %add3A_106 = arith.addi %add3A_105, %iota3A : vector<16xi32>
      %lt3A = vector.broadcast %scan3A_69 : i32 to vector<16xi32>
      %lt3A_107 = arith.cmpi slt, %add3A_106, %lt3A : vector<16xi32>
      %get3A_108 = arith.index_cast %multiple_of3A : i32 to index
      %get3A_109 = tpu.vector_load %arg10[%get3A_108] {strides = array<i32>} : memref<1040xi32, #tpu.memory_space<vmem>>, vector<16xi32>,
      %jit3A_110 = arith.constant 0 : i32
      %broadcast_in_dim3A_111 = vector.broadcast %jit3A_110 : i32 to vector<16xi32>
      %select_n3A_112 = arith.select %lt3A_107, %get3A_109, %broadcast_in_dim3A_111 : vector<16xi1>, vector<16xi32>
      %get3A_113 = arith.index_cast %multiple_of3A : i32 to index
      %get3A_114 = tpu.vector_load %arg11[%get3A_113] {strides = array<i32>} : memref<1040xi32, #tpu.memory_space<vmem>>, vector<16xi32>,
      %jit3A_115 = arith.constant 0 : i32
      %broadcast_in_dim3A_116 = vector.broadcast %jit3A_115 : i32 to vector<16xi32>
      %select_n3A_117 = arith.select %lt3A_107, %get3A_114, %broadcast_in_dim3A_116 : vector<16xi1>, vector<16xi32>
      %swap3A_118 = arith.constant 0 : index
      %swap3A_119 = tpu.vector_load %arg12[%swap3A_118] {strides = array<i32>} : memref<16xi32, #tpu.memory_space<vmem>>, vector<16xi32>,
      tpu.vector_store %arg12[%swap3A_118], %select_n3A_112 {strides = array<i32>} : memref<16xi32, #tpu.memory_space<vmem>>, vector<16xi32>,
      %dma_start3A_120 = arith.constant 0 : i32
      %dma_start3A_121 = arith.constant 0 : i32
      %dma_start3A_122 = tpu.memref_slice %arg4[%dma_start3A_120, %dma_start3A_121] : memref<10000x128xf32, #tpu.memory_space<hbm>> -> memref<10000x128xf32, #tpu.memory_space<hbm>>
      tpu.enqueue_indirect_dma source(%dma_start3A_122 : memref<10000x128xf32, #tpu.memory_space<hbm>>) target(%arg13 : memref<16x128xf32, #tpu.memory_space<vmem>>) offsets(%arg12 : memref<16xi32, #tpu.memory_space<vmem>>) semaphore(%arg16 : memref<!tpu.dma_semaphore, #tpu.memory_space<semaphore_mem>>)
      %dma_wait3A_123 = arith.constant 0 : i32
      %dma_wait3A_124 = arith.constant 0 : i32
      %dma_wait3A_125 = tpu.memref_slice %arg4[%dma_wait3A_123, %dma_wait3A_124] : memref<10000x128xf32, #tpu.memory_space<hbm>> -> memref<10000x128xf32, #tpu.memory_space<hbm>>
      tpu.wait_indirect_dma semaphore(%arg16 : memref<!tpu.dma_semaphore, #tpu.memory_space<semaphore_mem>>) src(%dma_wait3A_125 : memref<10000x128xf32, #tpu.memory_space<hbm>>) dst(%arg13 : memref<16x128xf32, #tpu.memory_space<vmem>>)
      %scan3A_126 = arith.constant 0 : i32
      %scan3A_127 = arith.constant 0 : i32
      %scan3A_128 = arith.constant 4 : i32
      %scan3A_129 = arith.addi %scan3A_127, %scan3A_128 : i32
      %scan3A_130 = arith.constant 1 : i32
      scf.for %scan3A_132 = %scan3A_127 to %scan3A_129 step %scan3A_130  : i32 {
        %broadcast_in_dim3A_133 = arith.constant 0 : i32
        %broadcast_in_dim3A_134 = vector.broadcast %broadcast_in_dim3A_133 : i32 to vector<16xi32>
        %add3A_135 = vector.broadcast %scan3A_132 : i32 to vector<16xi32>
        %add3A_136 = arith.addi %broadcast_in_dim3A_134, %add3A_135 : vector<16xi32>
        %gather3A = tpu.vector_load_idx %arg14[%add3A_136, %select_n3A_117] : memref<4x4000xf32, #tpu.memory_space<vmem>>[vector<16xi32>, vector<16xi32>], vector<16xf32>,
        %jit3A_137 = arith.constant 0.000000e+00 : f32
        %broadcast_in_dim3A_138 = vector.broadcast %jit3A_137 : f32 to vector<16xf32>
        %select_n3A_139 = arith.select %lt3A_107, %gather3A, %broadcast_in_dim3A_138 : vector<16xi1>, vector<16xf32>
        %scan3A_140 = arith.constant 0 : i32
        %scan3A_141 = arith.constant 16 : i32
        %scan3A_142 = arith.addi %scan3A_140, %scan3A_141 : i32
        %scan3A_143 = arith.constant 1 : i32
        %scan3A_144:8 = scf.for %scan3A_194 = %scan3A_140 to %scan3A_142 step %scan3A_143 iter_args(%scan3A_195 = %broadcast_in_dim3A_29, %scan3A_196 = %broadcast_in_dim3A_29, %scan3A_197 = %broadcast_in_dim3A_29, %scan3A_198 = %broadcast_in_dim3A_29, %scan3A_199 = %broadcast_in_dim3A_29, %scan3A_200 = %broadcast_in_dim3A_29, %scan3A_201 = %broadcast_in_dim3A_29, %scan3A_202 = %broadcast_in_dim3A_29) -> (vector<16xf32>, vector<16xf32>, vector<16xf32>, vector<16xf32>, vector<16xf32>, vector<16xf32>, vector<16xf32>, vector<16xf32>)  : i32 {
          %eq3A = vector.broadcast %scan3A_194 : i32 to vector<16xi32>
          %eq3A_203 = arith.cmpi eq, %iota3A, %eq3A : vector<16xi32>
          %jit3A_204 = arith.constant 0.000000e+00 : f32
          %broadcast_in_dim3A_205 = vector.broadcast %jit3A_204 : f32 to vector<16xf32>
          %select_n3A_206 = arith.select %eq3A_203, %select_n3A_139, %broadcast_in_dim3A_205 : vector<16xi1>, vector<16xf32>
          %reduce_sum3A = arith.constant true
          %reduce_sum3A_207 = vector.broadcast %reduce_sum3A : i1 to vector<16xi1>
          %reduce_sum3A_208 = tpu.scan <sum>, %select_n3A_206 masked %reduce_sum3A_207 : vector<16xf32>, vector<16xi1> -> vector<16xf32>
          %reduce_sum3A_209 = vector.extract %reduce_sum3A_208[15] : f32 from vector<16xf32>
          %get3A_210 = arith.index_cast %scan3A_194 : i32 to index
          %get3A_211 = arith.constant 0 : index
          %get3A_212 = tpu.vector_load %arg13[%get3A_210, %get3A_211] {strides = array<i32>} : memref<16x128xf32, #tpu.memory_space<vmem>>, vector<16xf32>,
          %mul3A_213 = vector.broadcast %reduce_sum3A_209 : f32 to vector<16xf32>
          %mul3A_214 = arith.mulf %mul3A_213, %get3A_212 : vector<16xf32>
          %add3A_215 = arith.addf %scan3A_195, %mul3A_214 : vector<16xf32>
          %get3A_216 = arith.index_cast %scan3A_194 : i32 to index
          %get3A_217 = arith.constant 16 : index
          %get3A_218 = tpu.vector_load %arg13[%get3A_216, %get3A_217] {strides = array<i32>} : memref<16x128xf32, #tpu.memory_space<vmem>>, vector<16xf32>,
          %mul3A_219 = vector.broadcast %reduce_sum3A_209 : f32 to vector<16xf32>
          %mul3A_220 = arith.mulf %mul3A_219, %get3A_218 : vector<16xf32>
          %add3A_221 = arith.addf %scan3A_196, %mul3A_220 : vector<16xf32>
          %get3A_222 = arith.index_cast %scan3A_194 : i32 to index
          %get3A_223 = arith.constant 32 : index
          %get3A_224 = tpu.vector_load %arg13[%get3A_222, %get3A_223] {strides = array<i32>} : memref<16x128xf32, #tpu.memory_space<vmem>>, vector<16xf32>,
          %mul3A_225 = vector.broadcast %reduce_sum3A_209 : f32 to vector<16xf32>
          %mul3A_226 = arith.mulf %mul3A_225, %get3A_224 : vector<16xf32>
          %add3A_227 = arith.addf %scan3A_197, %mul3A_226 : vector<16xf32>
          %get3A_228 = arith.index_cast %scan3A_194 : i32 to index
          %get3A_229 = arith.constant 48 : index
          %get3A_230 = tpu.vector_load %arg13[%get3A_228, %get3A_229] {strides = array<i32>} : memref<16x128xf32, #tpu.memory_space<vmem>>, vector<16xf32>,
          %mul3A_231 = vector.broadcast %reduce_sum3A_209 : f32 to vector<16xf32>
          %mul3A_232 = arith.mulf %mul3A_231, %get3A_230 : vector<16xf32>
          %add3A_233 = arith.addf %scan3A_198, %mul3A_232 : vector<16xf32>
          %get3A_234 = arith.index_cast %scan3A_194 : i32 to index
          %get3A_235 = arith.constant 64 : index
          %get3A_236 = tpu.vector_load %arg13[%get3A_234, %get3A_235] {strides = array<i32>} : memref<16x128xf32, #tpu.memory_space<vmem>>, vector<16xf32>,
          %mul3A_237 = vector.broadcast %reduce_sum3A_209 : f32 to vector<16xf32>
          %mul3A_238 = arith.mulf %mul3A_237, %get3A_236 : vector<16xf32>
          %add3A_239 = arith.addf %scan3A_199, %mul3A_238 : vector<16xf32>
          %get3A_240 = arith.index_cast %scan3A_194 : i32 to index
          %get3A_241 = arith.constant 80 : index
          %get3A_242 = tpu.vector_load %arg13[%get3A_240, %get3A_241] {strides = array<i32>} : memref<16x128xf32, #tpu.memory_space<vmem>>, vector<16xf32>,
          %mul3A_243 = vector.broadcast %reduce_sum3A_209 : f32 to vector<16xf32>
          %mul3A_244 = arith.mulf %mul3A_243, %get3A_242 : vector<16xf32>
          %add3A_245 = arith.addf %scan3A_200, %mul3A_244 : vector<16xf32>
          %get3A_246 = arith.index_cast %scan3A_194 : i32 to index
          %get3A_247 = arith.constant 96 : index
          %get3A_248 = tpu.vector_load %arg13[%get3A_246, %get3A_247] {strides = array<i32>} : memref<16x128xf32, #tpu.memory_space<vmem>>, vector<16xf32>,
          %mul3A_249 = vector.broadcast %reduce_sum3A_209 : f32 to vector<16xf32>
          %mul3A_250 = arith.mulf %mul3A_249, %get3A_248 : vector<16xf32>
          %add3A_251 = arith.addf %scan3A_201, %mul3A_250 : vector<16xf32>
          %get3A_252 = arith.index_cast %scan3A_194 : i32 to index
          %get3A_253 = arith.constant 112 : index
          %get3A_254 = tpu.vector_load %arg13[%get3A_252, %get3A_253] {strides = array<i32>} : memref<16x128xf32, #tpu.memory_space<vmem>>, vector<16xf32>,
          %mul3A_255 = vector.broadcast %reduce_sum3A_209 : f32 to vector<16xf32>
          %mul3A_256 = arith.mulf %mul3A_255, %get3A_254 : vector<16xf32>
          %add3A_257 = arith.addf %scan3A_202, %mul3A_256 : vector<16xf32>
          scf.yield %add3A_215, %add3A_221, %add3A_227, %add3A_233, %add3A_239, %add3A_245, %add3A_251, %add3A_257 : vector<16xf32>, vector<16xf32>, vector<16xf32>, vector<16xf32>, vector<16xf32>, vector<16xf32>, vector<16xf32>, vector<16xf32>
        }
        %scan3A_145 = arith.constant 16 : i32
        %mul3A_146 = arith.constant 128 : i32
        %mul3A_147 = arith.muli %scan3A_132, %mul3A_146 : i32
        %add3A_148 = arith.constant 0 : i32
        %add3A_149 = arith.addi %mul3A_147, %add3A_148 : i32
        %swap3A_150 = arith.index_cast %add3A_149 : i32 to index
        %swap3A_151 = tpu.vector_load %arg15[%swap3A_150] {strides = array<i32>} : memref<640xf32, #tpu.memory_space<vmem>>, vector<16xf32>,
        tpu.vector_store %arg15[%swap3A_150], %scan3A_144#0 {add = true, strides = array<i32>} : memref<640xf32, #tpu.memory_space<vmem>>, vector<16xf32>,
        %mul3A_152 = arith.constant 128 : i32
        %mul3A_153 = arith.muli %scan3A_132, %mul3A_152 : i32
        %add3A_154 = arith.constant 16 : i32
        %add3A_155 = arith.addi %mul3A_153, %add3A_154 : i32
        %swap3A_156 = arith.index_cast %add3A_155 : i32 to index
        %swap3A_157 = tpu.vector_load %arg15[%swap3A_156] {strides = array<i32>} : memref<640xf32, #tpu.memory_space<vmem>>, vector<16xf32>,
        tpu.vector_store %arg15[%swap3A_156], %scan3A_144#1 {add = true, strides = array<i32>} : memref<640xf32, #tpu.memory_space<vmem>>, vector<16xf32>,
        %mul3A_158 = arith.constant 128 : i32
        %mul3A_159 = arith.muli %scan3A_132, %mul3A_158 : i32
        %add3A_160 = arith.constant 32 : i32
        %add3A_161 = arith.addi %mul3A_159, %add3A_160 : i32
        %swap3A_162 = arith.index_cast %add3A_161 : i32 to index
        %swap3A_163 = tpu.vector_load %arg15[%swap3A_162] {strides = array<i32>} : memref<640xf32, #tpu.memory_space<vmem>>, vector<16xf32>,
        tpu.vector_store %arg15[%swap3A_162], %scan3A_144#2 {add = true, strides = array<i32>} : memref<640xf32, #tpu.memory_space<vmem>>, vector<16xf32>,
        %mul3A_164 = arith.constant 128 : i32
        %mul3A_165 = arith.muli %scan3A_132, %mul3A_164 : i32
        %add3A_166 = arith.constant 48 : i32
        %add3A_167 = arith.addi %mul3A_165, %add3A_166 : i32
        %swap3A_168 = arith.index_cast %add3A_167 : i32 to index
        %swap3A_169 = tpu.vector_load %arg15[%swap3A_168] {strides = array<i32>} : memref<640xf32, #tpu.memory_space<vmem>>, vector<16xf32>,
        tpu.vector_store %arg15[%swap3A_168], %scan3A_144#3 {add = true, strides = array<i32>} : memref<640xf32, #tpu.memory_space<vmem>>, vector<16xf32>,
        %mul3A_170 = arith.constant 128 : i32
        %mul3A_171 = arith.muli %scan3A_132, %mul3A_170 : i32
        %add3A_172 = arith.constant 64 : i32
        %add3A_173 = arith.addi %mul3A_171, %add3A_172 : i32
        %swap3A_174 = arith.index_cast %add3A_173 : i32 to index
        %swap3A_175 = tpu.vector_load %arg15[%swap3A_174] {strides = array<i32>} : memref<640xf32, #tpu.memory_space<vmem>>, vector<16xf32>,
        tpu.vector_store %arg15[%swap3A_174], %scan3A_144#4 {add = true, strides = array<i32>} : memref<640xf32, #tpu.memory_space<vmem>>, vector<16xf32>,
        %mul3A_176 = arith.constant 128 : i32
        %mul3A_177 = arith.muli %scan3A_132, %mul3A_176 : i32
        %add3A_178 = arith.constant 80 : i32
        %add3A_179 = arith.addi %mul3A_177, %add3A_178 : i32
        %swap3A_180 = arith.index_cast %add3A_179 : i32 to index
        %swap3A_181 = tpu.vector_load %arg15[%swap3A_180] {strides = array<i32>} : memref<640xf32, #tpu.memory_space<vmem>>, vector<16xf32>,
        tpu.vector_store %arg15[%swap3A_180], %scan3A_144#5 {add = true, strides = array<i32>} : memref<640xf32, #tpu.memory_space<vmem>>, vector<16xf32>,
        %mul3A_182 = arith.constant 128 : i32
        %mul3A_183 = arith.muli %scan3A_132, %mul3A_182 : i32
        %add3A_184 = arith.constant 96 : i32
        %add3A_185 = arith.addi %mul3A_183, %add3A_184 : i32
        %swap3A_186 = arith.index_cast %add3A_185 : i32 to index
        %swap3A_187 = tpu.vector_load %arg15[%swap3A_186] {strides = array<i32>} : memref<640xf32, #tpu.memory_space<vmem>>, vector<16xf32>,
        tpu.vector_store %arg15[%swap3A_186], %scan3A_144#6 {add = true, strides = array<i32>} : memref<640xf32, #tpu.memory_space<vmem>>, vector<16xf32>,
        %mul3A_188 = arith.constant 128 : i32
        %mul3A_189 = arith.muli %scan3A_132, %mul3A_188 : i32
        %add3A_190 = arith.constant 112 : i32
        %add3A_191 = arith.addi %mul3A_189, %add3A_190 : i32
        %swap3A_192 = arith.index_cast %add3A_191 : i32 to index
        %swap3A_193 = tpu.vector_load %arg15[%swap3A_192] {strides = array<i32>} : memref<640xf32, #tpu.memory_space<vmem>>, vector<16xf32>,
        tpu.vector_store %arg15[%swap3A_192], %scan3A_144#7 {add = true, strides = array<i32>} : memref<640xf32, #tpu.memory_space<vmem>>, vector<16xf32>,
      }
      %scan3A_131 = arith.constant 4 : i32
    }
    "tpu.region"() ({
      %run_scoped3A = tpu.sem_alloc : memref<!tpu.dma_semaphore, #tpu.memory_space<semaphore_mem>>
      %dma_start3A_102 = arith.constant 0 : i32
      %dma_start3A_103 = tpu.memref_slice %arg5[%add3A, %dma_start3A_102] : memref<32x640xf32, #tpu.memory_space<hbm>> -> memref<1x640xf32, #tpu.memory_space<hbm>>
      %dma_start3A_104 = tpu.memref_squeeze %dma_start3A_103 : memref<1x640xf32, #tpu.memory_space<hbm>> -> memref<640xf32, #tpu.memory_space<hbm>>
      %dma_start3A_105 = arith.constant 0 : i32
      %dma_start3A_106 = tpu.memref_slice %arg5[%add3A, %dma_start3A_105] : memref<32x640xf32, #tpu.memory_space<hbm>> -> memref<1x640xf32, #tpu.memory_space<hbm>>
      %dma_start3A_107 = tpu.memref_squeeze %dma_start3A_106 : memref<1x640xf32, #tpu.memory_space<hbm>> -> memref<640xf32, #tpu.memory_space<hbm>>
      tpu.enqueue_dma source(%arg15 : memref<640xf32, #tpu.memory_space<vmem>>) target(%dma_start3A_107 : memref<640xf32, #tpu.memory_space<hbm>>) target_semaphore(%run_scoped3A : memref<!tpu.dma_semaphore, #tpu.memory_space<semaphore_mem>>)
      %dma_wait3A_108 = arith.constant 0 : i32
      %dma_wait3A_109 = tpu.memref_slice %arg5[%add3A, %dma_wait3A_108] : memref<32x640xf32, #tpu.memory_space<hbm>> -> memref<1x640xf32, #tpu.memory_space<hbm>>
      %dma_wait3A_110 = tpu.memref_squeeze %dma_wait3A_109 : memref<1x640xf32, #tpu.memory_space<hbm>> -> memref<640xf32, #tpu.memory_space<hbm>>
      %dma_wait3A_111 = arith.constant 0 : i32
      %dma_wait3A_112 = tpu.memref_slice %arg5[%add3A, %dma_wait3A_111] : memref<32x640xf32, #tpu.memory_space<hbm>> -> memref<1x640xf32, #tpu.memory_space<hbm>>
      %dma_wait3A_113 = tpu.memref_squeeze %dma_wait3A_112 : memref<1x640xf32, #tpu.memory_space<hbm>> -> memref<640xf32, #tpu.memory_space<hbm>>
      tpu.wait_dma2 semaphore(%run_scoped3A : memref<!tpu.dma_semaphore, #tpu.memory_space<semaphore_mem>>) src(%arg15 : memref<640xf32, #tpu.memory_space<vmem>>) dst(%dma_wait3A_113 : memref<640xf32, #tpu.memory_space<hbm>>)
      tpu.yield
    }) : () -> ()
    return
  }
}

module attributes {stable_mosaic.version = 14 : i64} {
  func.func @_tc_body(%arg0: memref<32x640xf32, #tpu.memory_space<vmem>>, %arg1: memref<4x128x128xf32, #tpu.memory_space<vmem>>, %arg2: memref<1x128xf32, #tpu.memory_space<vmem>>) attributes {dimension_semantics = [], scalar_prefetch = 0 : i64, scratch_operands = 0 : i64, tpu.core_type = #tpu.core_type<tc>} {
    %get3A = arith.constant 0 : index
    %get3A_0 = arith.constant 0 : index
    %get3A_1 = vector.load %arg0[%get3A, %get3A_0] : memref<32x640xf32, #tpu.memory_space<vmem>>, vector<32x640xf32>
    %reduce_sum3A = arith.constant dense<0.000000e+00> : vector<640xf32>
    %reduce_sum3A_2 = vector.multi_reduction <add>, %get3A_1, %reduce_sum3A [0] : vector<32x640xf32> to vector<640xf32>
    %broadcast_in_dim3A = vector.shape_cast %reduce_sum3A_2 : vector<640xf32> to vector<1x640xf32>
    %slice3A = vector.extract_strided_slice %broadcast_in_dim3A {offsets = [0, 512], sizes = [1, 1], strides = [1, 1]} : vector<1x640xf32> to vector<1x1xf32>
    %squeeze3A = vector.extract %slice3A[0, 0] : f32 from vector<1x1xf32>
    %broadcast_in_dim3A_3 = arith.constant 0.000000e+00 : f32
    %broadcast_in_dim3A_4 = vector.broadcast %broadcast_in_dim3A_3 : f32 to vector<1x128xf32>
    %slice3A_5 = vector.extract_strided_slice %broadcast_in_dim3A {offsets = [0, 0], sizes = [1, 128], strides = [1, 1]} : vector<1x640xf32> to vector<1x128xf32>
    %get3A_6 = arith.constant 0 : index
    %get3A_7 = arith.constant 0 : index
    %get3A_8 = arith.constant 0 : index
    %get3A_9 = vector.load %arg1[%get3A_6, %get3A_7, %get3A_8] : memref<4x128x128xf32, #tpu.memory_space<vmem>>, vector<1x128x128xf32>
    %get3A_10 = vector.shape_cast %get3A_9 : vector<1x128x128xf32> to vector<128x128xf32>
    %dot_general3A = arith.constant dense<0.000000e+00> : vector<1x128xf32>
    %dot_general3A_11 = tpu.matmul %slice3A_5, %get3A_10, %dot_general3A {dimension_numbers = #tpu.dot_dimension_numbers<[1], [0], [0], [1], [0, 0, 1, 1], [], []>, transpose_lhs_hint = false} : vector<1x128xf32>, vector<128x128xf32>, vector<1x128xf32> -> vector<1x128xf32>
    %add3A = arith.addf %broadcast_in_dim3A_4, %dot_general3A_11 : vector<1x128xf32>
    %slice3A_12 = vector.extract_strided_slice %broadcast_in_dim3A {offsets = [0, 128], sizes = [1, 128], strides = [1, 1]} : vector<1x640xf32> to vector<1x128xf32>
    %get3A_13 = arith.constant 1 : index
    %get3A_14 = arith.constant 0 : index
    %get3A_15 = arith.constant 0 : index
    %get3A_16 = vector.load %arg1[%get3A_13, %get3A_14, %get3A_15] : memref<4x128x128xf32, #tpu.memory_space<vmem>>, vector<1x128x128xf32>
    %get3A_17 = vector.shape_cast %get3A_16 : vector<1x128x128xf32> to vector<128x128xf32>
    %dot_general3A_18 = arith.constant dense<0.000000e+00> : vector<1x128xf32>
    %dot_general3A_19 = tpu.matmul %slice3A_12, %get3A_17, %dot_general3A_18 {dimension_numbers = #tpu.dot_dimension_numbers<[1], [0], [0], [1], [0, 0, 1, 1], [], []>, transpose_lhs_hint = false} : vector<1x128xf32>, vector<128x128xf32>, vector<1x128xf32> -> vector<1x128xf32>
    %add3A_20 = arith.addf %add3A, %dot_general3A_19 : vector<1x128xf32>
    %slice3A_21 = vector.extract_strided_slice %broadcast_in_dim3A {offsets = [0, 256], sizes = [1, 128], strides = [1, 1]} : vector<1x640xf32> to vector<1x128xf32>
    %get3A_22 = arith.constant 2 : index
    %get3A_23 = arith.constant 0 : index
    %get3A_24 = arith.constant 0 : index
    %get3A_25 = vector.load %arg1[%get3A_22, %get3A_23, %get3A_24] : memref<4x128x128xf32, #tpu.memory_space<vmem>>, vector<1x128x128xf32>
    %get3A_26 = vector.shape_cast %get3A_25 : vector<1x128x128xf32> to vector<128x128xf32>
    %dot_general3A_27 = arith.constant dense<0.000000e+00> : vector<1x128xf32>
    %dot_general3A_28 = tpu.matmul %slice3A_21, %get3A_26, %dot_general3A_27 {dimension_numbers = #tpu.dot_dimension_numbers<[1], [0], [0], [1], [0, 0, 1, 1], [], []>, transpose_lhs_hint = false} : vector<1x128xf32>, vector<128x128xf32>, vector<1x128xf32> -> vector<1x128xf32>
    %add3A_29 = arith.addf %add3A_20, %dot_general3A_28 : vector<1x128xf32>
    %slice3A_30 = vector.extract_strided_slice %broadcast_in_dim3A {offsets = [0, 384], sizes = [1, 128], strides = [1, 1]} : vector<1x640xf32> to vector<1x128xf32>
    %get3A_31 = arith.constant 3 : index
    %get3A_32 = arith.constant 0 : index
    %get3A_33 = arith.constant 0 : index
    %get3A_34 = vector.load %arg1[%get3A_31, %get3A_32, %get3A_33] : memref<4x128x128xf32, #tpu.memory_space<vmem>>, vector<1x128x128xf32>
    %get3A_35 = vector.shape_cast %get3A_34 : vector<1x128x128xf32> to vector<128x128xf32>
    %dot_general3A_36 = arith.constant dense<0.000000e+00> : vector<1x128xf32>
    %dot_general3A_37 = tpu.matmul %slice3A_30, %get3A_35, %dot_general3A_36 {dimension_numbers = #tpu.dot_dimension_numbers<[1], [0], [0], [1], [0, 0, 1, 1], [], []>, transpose_lhs_hint = false} : vector<1x128xf32>, vector<128x128xf32>, vector<1x128xf32> -> vector<1x128xf32>
    %add3A_38 = arith.addf %add3A_29, %dot_general3A_37 : vector<1x128xf32>
    %max3A = arith.constant 1.000000e+00 : f32
    %max3A_39 = arith.maximumf %squeeze3A, %max3A : f32
    %div3A = vector.broadcast %max3A_39 : f32 to vector<1x128xf32>
    %div3A_40 = arith.divf %add3A_38, %div3A : vector<1x128xf32>
    %swap3A = arith.constant 0 : index
    %swap3A_41 = arith.constant 0 : index
    %swap3A_42 = vector.load %arg2[%swap3A, %swap3A_41] : memref<1x128xf32, #tpu.memory_space<vmem>>, vector<1x128xf32>
    tpu.vector_store %arg2[%swap3A, %swap3A_41], %div3A_40 {strides = array<i32>} : memref<1x128xf32, #tpu.memory_space<vmem>>, vector<1x128xf32>,
    return
  }
}

</mosaic_0001>

<sc_bundles>
// kernel: kernel.4.cloned.1.call-start
scs
__scs_entry_jumppad:
0x0: {  	(pc) =	sbr.rel $0x88, $3  }
0x1: {  	(tag) =	ssettag $0x0;
	lr =	simm.s32 $0x1  }
0x2: {  	[smem:$0x3F9C] =	sst lr;
	_ =	strace $0xD0000000  }
0x3: {  	_ = 	snop  }
0x4: {  	_ = 	snop  }
0x5: {  	_ = 	snop  }
0x6: {  	_ = 	snop  }
0x7: {  	_ = 	snop  }
__scs_overlays_trampoline_lowered:
0x8: {  	[smem:$0x3FAB] =	sst s0  }
0x9: {  	[smem:$0x3FAC] =	sst s1  }
0xa: {  	[smem:$0x3FAD] =	sst s2  }
0xb: {  	[smem:$0x3FAE] =	sst s3  }
0xc: {  	[smem:$0x3FAF] =	sst s4  }
0xd: {  	[smem:$0x3FB0] =	sst s5  }
0xe: {  	[smem:$0x3FB1] =	sst s6  }
0xf: {  	[smem:$0x3FB2] =	sst s7  }
0x10: {  	[smem:$0x3FB3] =	sst s8  }
0x11: {  	[smem:$0x3FB4] =	sst s9;
	s0 =	simm.s32 @!p0 $0x0  }
0x12: {  	s1 =	sld [smem:$0x3F9A];
	s0 =	simm.s32 @p0 $0x1  }
0x13: {  	[smem:$0x3FB5] =	sst s0;
	s0 =	simm.s32 @!p1 $0x0  }
0x14: {  	s2 =	sld [smem:$0x3F99];
	s0 =	simm.s32 @p1 $0x1  }
0x15: {  	[smem:$0x3FB6] =	sst s0;
	s0 =	simm.s32 @!p2 $0x0  }
0x16: {  	s3 =	sld [smem:$0x3FDB];
	s0 =	simm.s32 @p2 $0x1  }
0x17: {  	s4 =	simm.s32 $0x1BF5;
	[smem:$0x3FB8] =	sst s0  }
0x18: {  	s0 =	sld [smem:$0x3F9B];
	_ =	swait.ge [sflag:s4], $0x0  }
0x19: {  	s7 =	sld [smem:$0x3F9C]  }
0x1a: {  	s8 =	sadd.s32 $0xFFFFE003, lr  }
0x1b: {  	s9 =	sadd.s32 $0xFFFFFEF7, lr;
	s5 =	simm.s32 $0xFFFFFFFF;
	p2 =	slt.u32 s8, $0xFFFFF086  }
0x1c: {  	p1 =	slt.u32 s9, $0xF7A;
	s5 =	simm.s32 @!p2 $0x0  }
0x1d: {  	s5 =	simm.s32 @p1 $0x1;
	p0 =	seq.s32 s7, s2  }
0x1e: {  	s7 =	smul.u32 @!p0 $0xF7A, s2;
	p2 =	seq.s32 @!p0 s5, $0x0  }
0x1f: {  	s9 =	smul.u32 $0xF7A, s1;
	s8 =	simm.s32 @!p0 $0x1BF5;
	p2 =	por !p2, p0  }
0x20: {  	[sflag:s8] =	ssyncset.s32 @!p0 $0xFFFFF086;
	s6 =	sadd.s32 @!p0 s3, s7;
	s7 =	simm.s32 @!p0 $0x108  }
0x21: {  	s3 =	sadd.s32 s3, s9;
	s6 =	sadd.s32 @!p0 $0x88, s6;
	s7 =	simm.s32 @p2 $0x1082  }
0x22: {  	[simem:s7], [sflag:s8] =	dma.local @!p0 [hbm:s6], $0xF7A  }
0x23: {  	s9 =	sor.u32 $0xD0000000, s2;
	s6 =	simm.s32 $0x108;
	_ =	swait.ge @!p0 [sflag:s8], $0x0  }
0x24: {  	s3 =	sadd.s32 $0x88, s3;
	s6 =	simm.s32 @!p1 $0x1082;
	[sflag:s4] =	ssyncset.s32 $0xFFFFF086  }
0x25: {  	[simem:s6], [sflag:s4] =	dma.local [hbm:s3], $0xF7A  }
0x26: {  	[smem:$0x3F9C] =	sst s1;
	(tag) =	ssettag s2;
	_ =	strace s9  }
0x27: {  	s1 =	sld [smem:$0x3FAC]  }
0x28: {  	s2 =	sld [smem:$0x3FAD]  }
0x29: {  	s4 =	sld [smem:$0x3FAF]  }
0x2a: {  	p0 =	seq.s32 s5, $0x0;
	s5 =	sld [smem:$0x3FB0]  }
0x2b: {  	s6 =	sld [smem:$0x3FB1]  }
0x2c: {  	s7 =	sld [smem:$0x3FB2]  }
0x2d: {  	s3 =	simm.s32 $0x108;
	s8 =	sld [smem:$0x3FB3]  }
0x2e: {  	s3 =	simm.s32 @!p0 $0x1082;
	s9 =	sld [smem:$0x3FB4]  }
0x2f: {  	lr =	sadd.s32 s0, s3;
	s0 =	sld [smem:$0x3FAB]  }
0x30: {  	s3 =	sld [smem:$0x3FAE]  }
0x31: {  	[smem:$0x3FB7] =	sst s10  }
0x32: {  	s10 =	sld [smem:$0x3FB5];
	_ =	sdelay $0x3  }
0x33: {  	p0 =	seq.s32 s10, $0x1;
	s10 =	sld [smem:$0x3FB7];
	_ =	sdelay $0x3  }
0x34: {  	[smem:$0x3FB7] =	sst s10  }
0x35: {  	s10 =	sld [smem:$0x3FB6];
	_ =	sdelay $0x3  }
0x36: {  	p1 =	seq.s32 s10, $0x1;
	s10 =	sld [smem:$0x3FB7];
	_ =	sdelay $0x3  }
0x37: {  	[smem:$0x3FB7] =	sst s10  }
0x38: {  	s10 =	sld [smem:$0x3FB8]  }
0x39: {  	_ = 	snop;
	(pc) =	sbr.ind lr, $3  }
0x3a: {  	_ = 	snop  }
0x3b: {  	_ = 	snop  }
0x3c: {  	p2 =	seq.s32 s10, $0x1;
	s10 =	sld [smem:$0x3FB7]  }
0x3d: {  	_ =	shalt  }
0x3e: {  	_ =	shalt  }
0x3f: {  	_ =	shalt  }
0x40: {  	_ =	shalt  }
0x41: {  	_ =	shalt  }
0x42: {  	_ =	shalt  }
0x43: {  	_ =	shalt  }
0x44: {  	_ =	shalt  }
0x45: {  	_ =	shalt  }
0x46: {  	_ =	shalt  }
0x47: {  	_ =	shalt  }
0x48: {  	_ =	shalt  }
0x49: {  	_ =	shalt  }
0x4a: {  	_ =	shalt  }
0x4b: {  	_ =	shalt  }
0x4c: {  	_ =	shalt  }
0x4d: {  	_ =	shalt  }
0x4e: {  	_ =	shalt  }
0x4f: {  	_ =	shalt  }
0x50: {  	_ =	shalt  }
0x51: {  	_ =	shalt  }
0x52: {  	_ =	shalt  }
0x53: {  	_ =	shalt  }
0x54: {  	_ =	shalt  }
0x55: {  	_ =	shalt  }
0x56: {  	_ =	shalt  }
0x57: {  	_ =	shalt  }
0x58: {  	_ =	shalt  }
0x59: {  	_ =	shalt  }
0x5a: {  	_ =	shalt  }
0x5b: {  	_ =	shalt  }
0x5c: {  	_ =	shalt  }
0x5d: {  	_ =	shalt  }
0x5e: {  	_ =	shalt  }
0x5f: {  	_ =	shalt  }
0x60: {  	_ =	shalt  }
0x61: {  	_ =	shalt  }
0x62: {  	_ =	shalt  }
0x63: {  	_ =	shalt  }
0x64: {  	_ =	shalt  }
0x65: {  	_ =	shalt  }
0x66: {  	_ =	shalt  }
0x67: {  	_ =	shalt  }
0x68: {  	_ =	shalt  }
0x69: {  	_ =	shalt  }
0x6a: {  	_ =	shalt  }
0x6b: {  	_ =	shalt  }
0x6c: {  	_ =	shalt  }
0x6d: {  	_ =	shalt  }
0x6e: {  	_ =	shalt  }
0x6f: {  	_ =	shalt  }
0x70: {  	_ =	shalt  }
0x71: {  	_ =	shalt  }
0x72: {  	_ =	shalt  }
0x73: {  	_ =	shalt  }
0x74: {  	_ =	shalt  }
0x75: {  	_ =	shalt  }
0x76: {  	_ =	shalt  }
0x77: {  	_ =	shalt  }
0x78: {  	_ =	shalt  }
0x79: {  	_ =	shalt  }
0x7a: {  	_ =	shalt  }
0x7b: {  	_ =	shalt  }
0x7c: {  	_ =	shalt  }
0x7d: {  	_ =	shalt  }
0x7e: {  	_ =	shalt  }
0x7f: {  	_ =	shalt  }
0x80: {  	_ =	shalt  }
0x81: {  	_ =	shalt  }
0x82: {  	_ =	shalt  }
0x83: {  	_ =	shalt  }
0x84: {  	_ =	shalt  }
0x85: {  	_ =	shalt  }
0x86: {  	_ =	shalt  }
0x87: {  	_ =	shalt  }
.Lfunc_end0:
.L_simem_size_0:
called_computation_lowered:
.L_overlay_start_0:
0x88: {  	s2 =	sld [smem:$0x3FD9]  }
0x89: {  	s3 =	sld [smem:$0x3FFE];
	_ =	sdelay $0x1  }
0x8a: {  	s1 =	srdreg.scid  }
0x8b: {  	s0 =	sand.u32 $0x1, s1  }
0x8c: {  	s17 =	sshll.u32 s0, $0xA;
	s2 =	sadd.s32 s3, s2  }
0x8d: {  	s2 =	sadd.s32 s2, s17  }
0x8e: {  	[smem:$0x3FC3] =	sst s2  }
0x8f: {  	_ = 	snop  }
0x90: {  	s2 =	sld [smem:$0x3FC7]  }
0x91: {  	s18 =	sld [smem:$0x3FC5];
	(tm) =	ssettm $0x1  }
0x92: {  	s4 =	sld [smem:$0x3FFB];
	_ =	sdelay $0x3  }
0x93: {  	_ =	strace s4  }
0x94: {  	s4 =	sld [smem:$0x3FFC];
	_ =	sdelay $0x3  }
0x95: {  	_ =	strace s4  }
0x96: {  	s4 =	sld [smem:$0x3FFD];
	_ =	sdelay $0x3  }
0x97: {  	_ =	strace s4  }
0x98: {  	_ =	strace $0x8FFFFFFF  }
0x99: {  	s19 =	sld [smem:$0x3FDB];
	_ =	sdelay $0x1  }
0x9a: {  	s5 =	simm.s32 $_scs_section_size  }
0x9b: {  	s6 =	simm.s32 $_size__tile_overlayer_lowered;
	s7 =	simm.s32 $_tile_overlayer_lowered  }
0x9c: {  	s22 =	simm.s32 $0x1BFF;
	s21 =	sshll.u32 s7, $0x1;
	s4 =	sadd.s32 s5, s19  }
0x9d: {  	s8 =	simm.s32 $0x0;
	s20 =	sshll.u32 s6, $0x1;
	s6 =	sadd.s32 s21, s4  }
0x9e: {  	[timem:s8], [sflag:s22] =	dma.local [hbm:s6], s20  }
0x9f: {  	_ =	swait.ge [sflag:s22], s20  }
0xa0: {  	s5 =	ssub.s32 $0x0, s20;
	[sflag:s22] =	ssyncset.done $0x0  }
0xa1: {  	[sflag:s22] =	ssyncadd.s32 s5;
	_ =	sdelay $0x1  }
0xa2: {  	s23 =	simm.s32 $0x1B8B  }
0xa3: {  	_ =	swait.ge [sflag:s23], $0x1  }
0xa4: {  	[sflag:s23] =	ssyncset.done $0x0  }
0xa5: {  	s25 =	simm.s32 $0x1B8E;
	s24 =	sld [smem:$0x3FFE];
	[sflag:s23] =	ssyncadd.s32 $0xFFFFFFFF  }
0xa6: {  	s26 =	simm.s32 $execute0_lowered;
	[smem:$0x3FD2] =	sst s25  }
0xa7: {  	s6 =	sshll.u32 s26, $0x1;
	_ =	strace $0x80000046;
	[dreg:$0x1] =	wrdreg $0xFFFFFFFF  }
0xa8: {  	s28 =	simm.s32 $_size_execute0_lowered;
	s4 =	sadd.s32 s4, s6;
	[dreg:$0x0] =	wrdreg $0x0  }
0xa9: {  	s6 =	sshll.u32 s28, $0x1;
	[dreg:$0x2] =	wrdreg s4  }
0xaa: {  	[dreg:$0x3] =	wrdreg s6  }
0xab: {  	[dreg:$0x4] =	wrdreg $0xC0  }
0xac: {  	_ =	task [dreg:s8], $0x5FFFF  }
0xad: {  	[dreg:$0x1] =	wrdreg $0xFFFFFFFF  }
0xae: {  	[dreg:$0x0] =	wrdreg $0x60  }
0xaf: {  	[dreg:$0x2] =	wrdreg s24  }
0xb0: {  	[dreg:$0x3] =	wrdreg s18  }
0xb1: {  	[dreg:$0x4] =	wrdreg s2  }
0xb2: {  	[dreg:$0x5] =	wrdreg $0x9  }
0xb3: {  	_ =	task.clear_ibuf [dreg:s8], $0x6FFFF;
	_ =	strace $0x90000046  }
0xb4: {  	s29 =	simm.s32 $0x9;
	_ =	strace $0x80000048  }
0xb5: {  	_ =	swait.ge [sflag:s29], $0x1  }
0xb6: {  	[sflag:s29] =	ssyncadd.s32 $0xFFFFFFFF  }
0xb7: {  	_ =	strace $0x90000048  }
0xb8: {  	_ =	sfence  }
0xb9: {  	s30 =	sld [smem:$0x0];
	_ =	sdelay $0x2  }
0xba: {  	s31 =	sshll.u32 s1, $0xD;
	s1 =	sshrl.u32 s1, $0x2  }
0xbb: {  	s3 =	sand.u32 $0x4000, s31;
	s1 =	sadd.s32 s1, s30  }
0xbc: {  	s0 =	sor.u32 s3, s0;
	s1 =	sshll.u32 s1, $0x11  }
0xbd: {  	s0 =	sor.u32 s1, s0  }
0xbe: {  	s0 =	sadd.s32 $0x8F2B, s0  }
0xbf: {  	[sflag:s0] =	ssyncadd.remote.s32 $0x1  }
0xc0: {  	_ =	sfence.sel $0xFFFF  }
0xc1: {  	[dreg:$0x0] =	wrdreg $0xFFFFFFFF;
	(pc) =	sbr.abs _section_cstart, $3  }
0xc2: {  	[dreg:$0x1] =	wrdreg $0xFFFFFFFF  }
0xc3: {  	_ =	task.clear_ibuf [dreg:s8], $0x2FFFF;
	_ =	strace $0x9FFFFFFF  }
0xc4: {  	(tm) =	ssettm $0x7FFFFFFF  }
0xc5: {  	_ =	shalt  }
tec
execute0_lowered:
.L_overlay_start_1:
0x0: {  	(tag) =	ssettag $0x1  }
0x1: {  	s8 =	rddreg [dreg:$0x0]  }
0x2: {  	s2 =	rddreg [dreg:$0x1]  }
0x3: {  	s3 =	rddreg [dreg:$0x2];
	s4 =	srdreg.scid  }
0x4: {  	s0 =	rddreg [dreg:$0x3];
	s1 =	stileid.u32;
	s14 =	simm.s32 $0x200  }
0x5: {  	s15 =	simm.s32 $0x600;
	s16 =	simm.s32 $0x1800;
	s17 =	simm.s32 $0x1  }
0x6: {  	s18 =	simm.s32 $0x10;
	s19 =	simm.s32 $0xF80;
	s20 =	simm.s32 $0x1000  }
0x7: {  	s21 =	simm.s32 $0x5800;
	s22 =	simm.s32 $0x2;
	s23 =	simm.s32 $0x0  }
0x8: {  	s7 =	sand.u32 $0x1, s4;
	s4 =	simm.s32 $0x0;
	s5 =	sshll.u32 s1, $0x8  }
0x9: {  	s9 =	sshrl.u32 s1, $0x2;
	s31 =	sshll.u32 s1, $0xA;
	s6 =	sshll.u32 s7, $0x7  }
0xa: {  	[smem:$0x7FF] =	sst s4;
	s28 =	sshll.u32 s9, $0xC;
	s9 =	smul.u32 $0x1400, s9  }
0xb: {  	s29 =	ssub.s32 $0x2, s7;
	s13 =	sshll.u32 s7, $0x9;
	s5 =	sor.u32 s6, s5  }
0xc: {  	_ =	strace $0x80000047;
	s30 =	sshrl.u32 s29, $0x1;
	s5 =	sand.u32 $0x380, s5  }
0xd: {  	s13 =	sor.u32 s13, s31;
	s6 =	sor.u32 s28, s5;
	s5 =	sor.u32 s9, s5  }
.Ltmp0:
0xe: {  	s6 =	sshrl.u32 s6, $0x3;
	s5 =	sshrl.u32 s5, $0x3;
	(pc) =	sbr.rel .LBB2_1-.Ltmp0, $4  }
0xf: {  	s12 =	ssub.s32 s29, s30;
	s10 =	sadd.s32 s6, s8;
	s11 =	sadd.s32 s5, s8  }
0x10: {  	s8 =	sadd.s32 $0xFFE, s8;
	s5 =	sadd.s32 $0x800, s10;
	s6 =	sadd.s32 $0x1000, s10  }
0x11: {  	v0 =	vimm.f32 $0.0e+00;
	s7 =	sadd.s32 $0x1800, s10;
	s9 =	sadd.s32 $0x2000, s11;
	s10 =	smax.u32 s12, $0x1  }
0x12: {  	vm0 =	vmxor vm0, vm0;
	v1 =	vimm.s32 $0x0;
	v2 =	vlaneseq.u32;
	s11 =	sor.u32 $0x30, s13;
	s12 =	simm.s32 $0x80;
	s13 =	simm.s32 $0x400  }
.LBB2_9:
0x13: {  	s23 =	sadd.s32 $0x1, s23  }
0x14: {  	p0 =	sne.s32 s23, s10  }
.Ltmp1:
0x15: {  	_ = 	snop;
	(pc) =	sbr.rel @!p0 .LBB2_10-.Ltmp1, $4  }
0x16: {  	[hbm4b:s9+s12] =	stream.strided.scatter [tilespmem:s21], [sflag:$0x2], $0x280, s13, s12, $0x38;
	[tilespmem:$0x5A80] =	vst v63  }
0x17: {  	_ =	swait.ge [sflag:s22], $0x280  }
0x18: {  	[sflag:s22] =	ssyncset.done $0x0  }
0x19: {  	[sflag:s22] =	ssyncadd.s32 $0xFFFFFD80  }
.LBB2_1:
0x1a: {  	[tilespmem:s4], [sflag:$0x1] =	stream.strided.gather [hbm4b:s5+s12], $0x200, s13, s12, $0x38;
	[tilespmem:$0x5A80] =	vst v63  }
0x1b: {  	_ = 	snop  }
0x1c: {  	[tilespmem:s14], [sflag:$0x1] =	stream.strided.gather [hbm4b:s6+s12], $0x200, s13, s12, $0x38;
	[tilespmem:$0x5A80] =	vst v63  }
0x1d: {  	_ = 	snop  }
0x1e: {  	[tilespmem:s13], [sflag:$0x1] =	stream.strided.gather [hbm4b:s7+s12], $0x200, s13, s12, $0x38;
	[tilespmem:$0x5A80] =	vst v63  }
0x1f: {  	_ = 	snop  }
0x20: {  	[tilespmem:s15], [sflag:$0x1] =	stream.linear.gather [hbm4b:s8+s4], $0x10, $0x38;
	[tilespmem:$0x5A80] =	vst v63  }
0x21: {  	_ = 	snop  }
0x22: {  	[tilespmem:s16], [sflag:$0x1] =	stream.linear.gather [hbm4b:s2+s4], $0x4000, $0x38;
	[tilespmem:$0x5A80] =	vst v63  }
0x23: {  	[tilespmem:$0x5800] =	vst v0  }
0x24: {  	[tilespmem:$0x5810] =	vst v0  }
0x25: {  	[tilespmem:$0x5820] =	vst v0  }
0x26: {  	[tilespmem:$0x5830] =	vst v0  }
0x27: {  	[tilespmem:$0x5840] =	vst v0  }
0x28: {  	[tilespmem:$0x5850] =	vst v0  }
0x29: {  	[tilespmem:$0x5860] =	vst v0  }
0x2a: {  	[tilespmem:$0x5870] =	vst v0  }
0x2b: {  	[tilespmem:$0x5880] =	vst v0  }
0x2c: {  	[tilespmem:$0x5890] =	vst v0  }
0x2d: {  	[tilespmem:$0x58A0] =	vst v0  }
0x2e: {  	[tilespmem:$0x58B0] =	vst v0  }
0x2f: {  	[tilespmem:$0x58C0] =	vst v0  }
0x30: {  	[tilespmem:$0x58D0] =	vst v0  }
0x31: {  	[tilespmem:$0x58E0] =	vst v0  }
0x32: {  	[tilespmem:$0x58F0] =	vst v0  }
0x33: {  	[tilespmem:$0x5900] =	vst v0  }
0x34: {  	[tilespmem:$0x5910] =	vst v0  }
0x35: {  	[tilespmem:$0x5920] =	vst v0  }
0x36: {  	[tilespmem:$0x5930] =	vst v0  }
0x37: {  	[tilespmem:$0x5940] =	vst v0  }
0x38: {  	[tilespmem:$0x5950] =	vst v0  }
0x39: {  	[tilespmem:$0x5960] =	vst v0  }
0x3a: {  	[tilespmem:$0x5970] =	vst v0  }
0x3b: {  	[tilespmem:$0x5980] =	vst v0  }
0x3c: {  	[tilespmem:$0x5990] =	vst v0  }
0x3d: {  	[tilespmem:$0x59A0] =	vst v0  }
0x3e: {  	[tilespmem:$0x59B0] =	vst v0  }
0x3f: {  	[tilespmem:$0x59C0] =	vst v0  }
0x40: {  	[tilespmem:$0x59D0] =	vst v0  }
0x41: {  	[tilespmem:$0x59E0] =	vst v0  }
0x42: {  	[tilespmem:$0x59F0] =	vst v0  }
0x43: {  	[tilespmem:$0x5A00] =	vst v0  }
0x44: {  	[tilespmem:$0x5A10] =	vst v0  }
0x45: {  	[tilespmem:$0x5A20] =	vst v0  }
0x46: {  	[tilespmem:$0x5A30] =	vst v0  }
0x47: {  	[tilespmem:$0x5A40] =	vst v0  }
0x48: {  	[tilespmem:$0x5A50] =	vst v0  }
0x49: {  	[tilespmem:$0x5A60] =	vst v0  }
0x4a: {  	[tilespmem:$0x5A70] =	vst v0  }
0x4b: {  	_ =	swait.ge [sflag:s17], $0x200  }
0x4c: {  	[sflag:s17] =	ssyncset.done $0x0  }
0x4d: {  	[sflag:s17] =	ssyncadd.s32 $0xFFFFFE00  }
0x4e: {  	_ =	swait.ge [sflag:s17], $0x200  }
0x4f: {  	[sflag:s17] =	ssyncset.done $0x0  }
0x50: {  	[sflag:s17] =	ssyncadd.s32 $0xFFFFFE00  }
0x51: {  	_ =	swait.ge [sflag:s17], $0x200  }
0x52: {  	[sflag:s17] =	ssyncset.done $0x0  }
0x53: {  	[sflag:s17] =	ssyncadd.s32 $0xFFFFFE00  }
0x54: {  	_ =	swait.ge [sflag:s17], $0x10  }
0x55: {  	[sflag:s17] =	ssyncset.done $0x0  }
0x56: {  	[sflag:s17] =	ssyncadd.s32 $0xFFFFFFF0  }
0x57: {  	s24 =	simm.s32 $0x420;
	v3 =	vld [tilespmem:$0x600]  }
0x58: {  	v4 =	vld [tilespmem:s24+$0xFFFFFFE0];
	_ =	sdelay $0x2  }
0x59: {  	s25 =	sadd.s32 $0xFFFFFFD0, s11  }
0x5a: {  	vm1 =	vmmov vm0;
	p0 =	slt.u32 s25, $0x3E80  }
0x5b: {  	vm1 =	vmneg @p0 vm1;
	vm2 =	veq.s32 v4, v3  }
0x5c: {  	vm2 =	vmand vm1, vm2  }
0x5d: {  	v5 =	vsel vm2, $0x1, v1  }
0x5e: {  	(xrf0) =	vadd.scan.msk.s32 $0xffff, v5;
	_ =	sdelay $0x5  }
0x5f: {  	v5, _, _ =	vpop (xrf0)  }
0x60: {  	(v2sf) =	vpush v5, $0xF;
	_ =	sdelay $0x8  }
0x61: {  	s26 =	simm.s32 $0x20  }
0x62: {  	s25 =	simm.s32 $0x220;
	v5 =	vld [tilespmem:s26+$0xFFFFFFE0]  }
0x63: {  	v6 =	vld [tilespmem:s25+$0xFFFFFFE0];
	_ =	sdelay $0x3  }
0x64: {  	vm3 =	veq.s32 v5, v3;
	[tilespmem:s4+$0x680] =	vst.msk vm2, v5;
	s28 =	spop (v2sf)  }
0x65: {  	vm1 =	vmand vm1, vm3;
	[tilespmem:s4+$0xB00] =	vst.msk vm2, v6;
	s28 =	sadd.s32 $0x0, s28  }
0x66: {  	[tilespmem:s28+$0x680] =	vst.msk vm1, v4;
	v4 =	vadd.s32 $0x7D0, v6  }
0x67: {  	[tilespmem:s28+$0xB00] =	vst.msk vm1, v4  }
0x68: {  	v4 =	vld [tilespmem:s24+$0xFFFFFFF0];
	_ =	sdelay $0x2  }
0x69: {  	s29 =	sadd.s32 $0xFFFFFFE0, s11  }
0x6a: {  	p0 =	slt.u32 s29, $0x3E80;
	vm2 =	vmmov vm0  }
0x6b: {  	v5 =	vsel vm1, $0x1, v1;
	vm2 =	vmneg @p0 vm2;
	vm1 =	veq.s32 v4, v3  }
0x6c: {  	(xrf0) =	vadd.scan.msk.s32 $0xffff, v5;
	vm1 =	vmand vm2, vm1  }
0x6d: {  	v5 =	vsel vm1, $0x1, v1  }
0x6e: {  	(xrf0) =	vadd.scan.msk.s32 $0xffff, v5;
	_ =	sdelay $0x3  }
0x6f: {  	v5, _, _ =	vpop (xrf0)  }
0x70: {  	(v2sf) =	vpush v5, $0xF  }
0x71: {  	v5, _, _ =	vpop (xrf0)  }
0x72: {  	(v2sf) =	vpush v5, $0xF;
	_ =	sdelay $0x9  }
0x73: {  	v5 =	vld [tilespmem:s26+$0xFFFFFFF0]  }
0x74: {  	v6 =	vld [tilespmem:s25+$0xFFFFFFF0];
	_ =	sdelay $0x1  }
0x75: {  	s29 =	spop (v2sf)  }
0x76: {  	s28 =	sadd.s32 s29, s28  }
0x77: {  	vm3 =	veq.s32 v5, v3;
	[tilespmem:s28+$0x680] =	vst.msk vm1, v5;
	s29 =	spop (v2sf)  }
0x78: {  	vm2 =	vmand vm2, vm3;
	[tilespmem:s28+$0xB00] =	vst.msk vm1, v6;
	s28 =	sadd.s32 s28, s29  }
0x79: {  	[tilespmem:s28+$0x680] =	vst.msk vm2, v4;
	v4 =	vadd.s32 $0x7D0, v6  }
0x7a: {  	[tilespmem:s28+$0xB00] =	vst.msk vm2, v4  }
0x7b: {  	v4 =	vld [tilespmem:s24+$0x0];
	_ =	sdelay $0x2  }
0x7c: {  	s29 =	sadd.s32 $0xFFFFFFF0, s11  }
0x7d: {  	vm1 =	vmmov vm0;
	p0 =	slt.u32 s29, $0x3E80  }
0x7e: {  	v5 =	vsel vm2, $0x1, v1;
	vm1 =	vmneg @p0 vm1;
	vm2 =	veq.s32 v4, v3  }
0x7f: {  	(xrf0) =	vadd.scan.msk.s32 $0xffff, v5;
	vm2 =	vmand vm1, vm2  }
0x80: {  	v5 =	vsel vm2, $0x1, v1  }
0x81: {  	(xrf0) =	vadd.scan.msk.s32 $0xffff, v5;
	_ =	sdelay $0x3  }
0x82: {  	v5, _, _ =	vpop (xrf0)  }
0x83: {  	(v2sf) =	vpush v5, $0xF  }
0x84: {  	v5, _, _ =	vpop (xrf0)  }
0x85: {  	(v2sf) =	vpush v5, $0xF;
	_ =	sdelay $0x9  }
0x86: {  	v5 =	vld [tilespmem:s26+$0x0]  }
0x87: {  	v6 =	vld [tilespmem:s25+$0x0];
	_ =	sdelay $0x1  }
0x88: {  	s29 =	spop (v2sf)  }
0x89: {  	s28 =	sadd.s32 s29, s28  }
0x8a: {  	vm3 =	veq.s32 v5, v3;
	[tilespmem:s28+$0x680] =	vst.msk vm2, v5;
	s29 =	spop (v2sf)  }
0x8b: {  	vm1 =	vmand vm1, vm3;
	[tilespmem:s28+$0xB00] =	vst.msk vm2, v6;
	s28 =	sadd.s32 s28, s29  }
0x8c: {  	[tilespmem:s28+$0x680] =	vst.msk vm1, v4;
	v4 =	vadd.s32 $0x7D0, v6  }
0x8d: {  	[tilespmem:s28+$0xB00] =	vst.msk vm1, v4  }
0x8e: {  	v4 =	vld [tilespmem:s24+$0x10]  }
0x8f: {  	v5 =	vld [tilespmem:s26+$0x10];
	_ =	sdelay $0x2  }
0x90: {  	p0 =	slt.u32 s11, $0x3E80;
	vm2 =	vmmov vm0  }
0x91: {  	vm2 =	vmneg @p0 vm2;
	v6 =	vsel vm1, $0x1, v1;
	vm1 =	veq.s32 v4, v3  }
0x92: {  	(xrf0) =	vadd.scan.msk.s32 $0xffff, v6;
	vm3 =	vmand vm2, vm1;
	vm1 =	veq.s32 v5, v3  }
0x93: {  	vm1 =	vmand vm2, vm1;
	v6 =	vsel vm3, $0x1, v1  }
0x94: {  	v7 =	vsel vm1, $0x1, v1;
	(xrf0) =	vadd.scan.msk.s32 $0xffff, v6  }
0x95: {  	(xrf0) =	vadd.scan.msk.s32 $0xffff, v7;
	_ =	sdelay $0x2  }
0x96: {  	v6, _, _ =	vpop (xrf0)  }
0x97: {  	(v2sf) =	vpush v6, $0xF  }
0x98: {  	v6, _, _ =	vpop (xrf0)  }
0x99: {  	(v2sf) =	vpush v6, $0xF;
	v6, _, _ =	vpop (xrf0)  }
0x9a: {  	(v2sf) =	vpush v6, $0xF;
	_ =	sdelay $0x9  }
0x9b: {  	v6 =	vld [tilespmem:s25+$0x10];
	_ =	sdelay $0x1  }
0x9c: {  	s26 =	spop (v2sf)  }
0x9d: {  	s26 =	sadd.s32 s26, s28  }
0x9e: {  	s29 =	smov.u32 s11;
	[tilespmem:s26+$0x680] =	vst.msk vm3, v5;
	s28 =	spop (v2sf)  }
0x9f: {  	s25 =	simm.s32 $0x0;
	[tilespmem:s26+$0xB00] =	vst.msk vm3, v6;
	s31 =	sadd.s32 s26, s28;
	s26 =	spop (v2sf)  }
0xa0: {  	s28 =	simm.s32 $0x260;
	[tilespmem:s31+$0x680] =	vst.msk vm1, v4;
	v4 =	vadd.s32 $0x7D0, v6;
	s30 =	sadd.s32 s26, s31;
	s26 =	simm.s32 $0x60  }
.LBB2_2:
0xa1: {  	s25 =	sadd.s32 $0x4, s25;
	[tilespmem:s31+$0xB00] =	vst.msk vm1, v4;
	s29 =	sadd.s32 $0x40, s29;
	s24 =	sadd.s32 $0x40, s24  }
0xa2: {  	v4 =	vld [tilespmem:s24+$0xFFFFFFE0];
	p0 =	slt.u32 s25, $0x1C;
	_ =	sdelay $0x2  }
0xa3: {  	s31 =	sadd.s32 $0xFFFFFFD0, s29  }
0xa4: {  	vm1 =	vmmov vm0;
	p1 =	slt.u32 s31, $0x3E80  }
0xa5: {  	vm1 =	vmneg @p1 vm1;
	vm2 =	veq.s32 v4, v3  }
0xa6: {  	vm2 =	vmand vm1, vm2  }
0xa7: {  	v5 =	vsel vm2, $0x1, v1  }
0xa8: {  	(xrf0) =	vadd.scan.msk.s32 $0xffff, v5;
	_ =	sdelay $0x5  }
0xa9: {  	v5, _, _ =	vpop (xrf0)  }
0xaa: {  	(v2sf) =	vpush v5, $0xF;
	_ =	sdelay $0x9  }
0xab: {  	v5 =	vld [tilespmem:s26+$0xFFFFFFE0]  }
0xac: {  	v6 =	vld [tilespmem:s28+$0xFFFFFFE0];
	_ =	sdelay $0x3  }
0xad: {  	vm3 =	veq.s32 v5, v3;
	[tilespmem:s30+$0x680] =	vst.msk vm2, v5;
	s31 =	spop (v2sf)  }
0xae: {  	vm1 =	vmand vm1, vm3;
	[tilespmem:s30+$0xB00] =	vst.msk vm2, v6;
	s30 =	sadd.s32 s30, s31  }
0xaf: {  	[tilespmem:s30+$0x680] =	vst.msk vm1, v4;
	v4 =	vadd.s32 $0x7D0, v6;
	v5 =	vsel vm1, $0x1, v1  }
0xb0: {  	[tilespmem:s30+$0xB00] =	vst.msk vm1, v4;
	(xrf0) =	vadd.scan.msk.s32 $0xffff, v5  }
0xb1: {  	v4 =	vld [tilespmem:s24+$0xFFFFFFF0];
	_ =	sdelay $0x2  }
0xb2: {  	s31 =	sadd.s32 $0xFFFFFFE0, s29  }
0xb3: {  	vm2 =	vmmov vm0;
	p1 =	slt.u32 s31, $0x3E80  }
0xb4: {  	vm2 =	vmneg @p1 vm2;
	vm1 =	veq.s32 v4, v3;
	v5, _, _ =	vpop (xrf0)  }
0xb5: {  	vm1 =	vmand vm2, vm1;
	(v2sf) =	vpush v5, $0xF  }
0xb6: {  	v5 =	vsel vm1, $0x1, v1  }
0xb7: {  	(xrf0) =	vadd.scan.msk.s32 $0xffff, v5  }
0xb8: {  	v5 =	vld [tilespmem:s26+$0xFFFFFFF0];
	_ =	sdelay $0x4  }
0xb9: {  	vm3 =	veq.s32 v5, v3;
	v6, _, _ =	vpop (xrf0)  }
0xba: {  	vm2 =	vmand vm2, vm3;
	(v2sf) =	vpush v6, $0xF  }
0xbb: {  	v6 =	vsel vm2, $0x1, v1  }
0xbc: {  	(xrf0) =	vadd.scan.msk.s32 $0xffff, v6;
	_ =	sdelay $0x3  }
0xbd: {  	s31 =	spop (v2sf);
	_ =	sdelay $0x1  }
0xbe: {  	v6, _, _ =	vpop (xrf0)  }
0xbf: {  	(v2sf) =	vpush v6, $0xF;
	_ =	sdelay $0x1  }
0xc0: {  	v6 =	vld [tilespmem:s28+$0xFFFFFFF0];
	_ =	sdelay $0x2  }
0xc1: {  	s30 =	sadd.s32 s31, s30  }
0xc2: {  	[tilespmem:s30+$0x680] =	vst.msk vm1, v5;
	s31 =	spop (v2sf)  }
0xc3: {  	[tilespmem:s30+$0xB00] =	vst.msk vm1, v6;
	s30 =	sadd.s32 s30, s31  }
0xc4: {  	[tilespmem:s30+$0x680] =	vst.msk vm2, v4;
	v4 =	vadd.s32 $0x7D0, v6  }
0xc5: {  	[tilespmem:s30+$0xB00] =	vst.msk vm2, v4  }
0xc6: {  	v4 =	vld [tilespmem:s24+$0x0];
	_ =	sdelay $0x1  }
0xc7: {  	v5 =	vld [tilespmem:s26+$0x0]  }
0xc8: {  	s31 =	sadd.s32 $0xFFFFFFF0, s29;
	v6 =	vld [tilespmem:s28+$0x0]  }
0xc9: {  	vm1 =	vmmov vm0;
	p1 =	slt.u32 s31, $0x3E80  }
0xca: {  	vm1 =	vmneg @p1 vm1;
	vm2 =	veq.s32 v4, v3;
	s31 =	spop (v2sf)  }
0xcb: {  	s30 =	sadd.s32 s31, s30;
	vm2 =	vmand vm1, vm2  }
0xcc: {  	vm3 =	veq.s32 v5, v3;
	[tilespmem:s30+$0x680] =	vst.msk vm2, v5;
	v5 =	vsel vm2, $0x1, v1  }
0xcd: {  	[tilespmem:s30+$0xB00] =	vst.msk vm2, v6;
	(xrf0) =	vadd.scan.msk.s32 $0xffff, v5;
	_ =	sdelay $0x5  }
0xce: {  	v5, _, _ =	vpop (xrf0)  }
0xcf: {  	vm1 =	vmand vm1, vm3;
	(v2sf) =	vpush v5, $0xF  }
0xd0: {  	v5 =	vsel vm1, $0x1, v1  }
0xd1: {  	(xrf0) =	vadd.scan.msk.s32 $0xffff, v5;
	_ =	sdelay $0x5  }
0xd2: {  	v5, _, _ =	vpop (xrf0)  }
0xd3: {  	(v2sf) =	vpush v5, $0xF;
	_ =	sdelay $0x5  }
0xd4: {  	s31 =	spop (v2sf)  }
0xd5: {  	s30 =	sadd.s32 s30, s31  }
0xd6: {  	[tilespmem:s30+$0x680] =	vst.msk vm1, v4;
	v4 =	vadd.s32 $0x7D0, v6  }
0xd7: {  	[tilespmem:s30+$0xB00] =	vst.msk vm1, v4  }
0xd8: {  	v4 =	vld [tilespmem:s24+$0x10]  }
0xd9: {  	v5 =	vld [tilespmem:s26+$0x10]  }
0xda: {  	v6 =	vld [tilespmem:s28+$0x10];
	_ =	sdelay $0x1  }
0xdb: {  	p1 =	slt.u32 s29, $0x3E80;
	vm1 =	vmmov vm0  }
0xdc: {  	vm1 =	vmneg @p1 vm1;
	vm2 =	veq.s32 v4, v3;
	s31 =	spop (v2sf)  }
0xdd: {  	s30 =	sadd.s32 s31, s30;
	vm2 =	vmand vm1, vm2;
	vm3 =	veq.s32 v5, v3  }
0xde: {  	vm1 =	vmand vm1, vm3;
	[tilespmem:s30+$0x680] =	vst.msk vm2, v5;
	v5 =	vsel vm2, $0x1, v1  }
0xdf: {  	[tilespmem:s30+$0xB00] =	vst.msk vm2, v6;
	v7 =	vsel vm1, $0x1, v1;
	(xrf0) =	vadd.scan.msk.s32 $0xffff, v5  }
0xe0: {  	(xrf0) =	vadd.scan.msk.s32 $0xffff, v7;
	_ =	sdelay $0x4  }
0xe1: {  	v5, _, _ =	vpop (xrf0)  }
0xe2: {  	(v2sf) =	vpush v5, $0xF;
	v5, _, _ =	vpop (xrf0)  }
0xe3: {  	(v2sf) =	vpush v5, $0xF;
	_ =	sdelay $0xb  }
.Ltmp2:
0xe4: {  	(pc) =	sbr.rel @p0 .LBB2_2-.Ltmp2, $4  }
0xe5: {  	_ = 	snop  }
0xe6: {  	s31 =	spop (v2sf)  }
0xe7: {  	s31 =	sadd.s32 s30, s31;
	s30 =	spop (v2sf)  }
0xe8: {  	s26 =	sadd.s32 $0x40, s26;
	s28 =	sadd.s32 $0x40, s28;
	[tilespmem:s31+$0x680] =	vst.msk vm1, v4;
	v4 =	vadd.s32 $0x7D0, v6;
	s30 =	sadd.s32 s30, s31  }
0xe9: {  	s24 =	sadd.s32 $0xF, s30  }
0xea: {  	s25 =	sand.u32 $0xF, s24  }
0xeb: {  	v3 =	vmov s30;
	s30 =	sshra.s32 s24, $0x1F;
	p1 =	slt.s32 s24, $0x1;
	p0 =	sne.s32 s25, $0x0  }
0xec: {  	s25 =	sshrl.u32 s30, $0x1C;
	p0 =	por !p1, !p0  }
0xed: {  	s24 =	sadd.s32 s25, s24;
	s25 =	simm.s32 $0x1;
	p0 =	por !p0, !p0  }
0xee: {  	s24 =	sshra.s32 s24, $0x4;
	s25 =	simm.s32 @!p0 $0x0  }
0xef: {  	s24 =	ssub.s32 s24, s25  }
0xf0: {  	v5 =	vcvt.s32.f32 v3;
	p0 =	slt.s32 s24, $0x1  }
.Ltmp3:
0xf1: {  	[tilespmem:s31+$0xB00] =	vst.msk vm1, v4;
	(pc) =	sbr.rel @p0 .LBB2_9-.Ltmp3, $4  }
0xf2: {  	[tilespmem:$0x5A00] =	vst v5  }
0xf3: {  	_ =	swait.ge [sflag:s17], $0x4000  }
0xf4: {  	[sflag:s17] =	ssyncset.done $0x0  }
0xf5: {  	[sflag:s17] =	ssyncadd.s32 $0xFFFFC000;
	s25 =	simm.s32 $0x0  }
.LBB2_4:
0xf6: {  	s26 =	sshll.u32 s25, $0x4  }
0xf7: {  	v4 =	vld [tilespmem:s26+$0x680];
	_ =	sdelay $0x1  }
0xf8: {  	v5 =	vld [tilespmem:s26+$0xB00]  }
0xf9: {  	v6 =	vor.u32 s26, v2  }
0xfa: {  	vm1 =	vlt.s32 v6, v3  }
0xfb: {  	v4 =	vnsel vm1, $0x0, v4  }
0xfc: {  	[tilespmem:$0xF80] =	vst v4  }
0xfd: {  	v4 =	vnsel vm1, $0x0, v5;
	[tilespmem:s20], [sflag:$0x1] =	stream.indirect.gather [hbm4b:s3+s18], $0x80, s19, s18, $0xb8;
	[tilespmem:$0x5A80] =	vst v63  }
0xfe: {  	v5 =	vshll.u32 v4, $0x2;
	_ =	swait.ge [sflag:s17], $0x800  }
0xff: {  	v4 =	vand.u32 $0x7F, v4;
	v5 =	vand.u32 $0xFFFFFE00, v5;
	[sflag:s17] =	ssyncset.done $0x0  }
0x100: {  	s26 =	simm.s32 $0x0;
	v4 =	vor.u32 v4, v5;
	[sflag:s17] =	ssyncadd.s32 $0xFFFFF800  }
.LBB2_5:
0x101: {  	v5 =	vmov s26  }
0x102: {  	v5 =	vshll.u32 v5, $0x7  }
0x103: {  	v5 =	vand.u32 $0x180, v5  }
0x104: {  	v5 =	vbroadcast v5, $0x0;
	_ =	sdelay $0x1  }
0x105: {  	v5 =	vor.u32 v5, v4;
	_ =	sdelay $0x4  }
0x106: {  	v5 =	vld.idx.msk [tilespmem:v5+s16+$0x0], $0xffff  }
0x107: {  	s28 =	simm.s32 $0x0  }
0x108: {  	v6 =	vmov s28  }
0x109: {  	vm2 =	veq.s32 v6, v2  }
0x10a: {  	vm2 =	vmand vm2, vm1  }
0x10b: {  	v6 =	vnsel vm2, $0x0, v5  }
0x10c: {  	(xrf2) =	vadd.scan.msk.f32 $0xffff, v6;
	_ =	sdelay $0x1  }
0x10d: {  	s28 =	simm.s32 $0x1  }
0x10e: {  	v6 =	vmov s28  }
0x10f: {  	s28 =	simm.s32 $0x1040;
	vm2 =	veq.s32 v6, v2  }
0x110: {  	v7 =	vld [tilespmem:s28+$0x30];
	vm2 =	vmand vm2, vm1  }
0x111: {  	v8 =	vld [tilespmem:s28+$0xFFFFFFC0];
	v6 =	vnsel vm2, $0x0, v5  }
0x112: {  	v9 =	vld [tilespmem:s28+$0xFFFFFFD0];
	(xrf2) =	vadd.scan.msk.f32 $0xffff, v6  }
0x113: {  	v10 =	vld [tilespmem:s28+$0xFFFFFFE0]  }
0x114: {  	v13 =	vld [tilespmem:s28+$0x0]  }
0x115: {  	s29 =	simm.s32 $0x2;
	v19 =	vld [tilespmem:s28+$0x10];
	v6, _, _ =	vpop (xrf2)  }
0x116: {  	v11 =	vmov s29;
	v21 =	vld [tilespmem:s28+$0x20];
	v17 =	vbroadcast v6, $0xF  }
0x117: {  	v12 =	vld [tilespmem:s28+$0xFFFFFFF0];
	vm2 =	veq.s32 v11, v2  }
0x118: {  	vm2 =	vmand vm2, vm1;
	v7 =	vmul.f32 v7, v17  }
0x119: {  	s29 =	simm.s32 $0x3;
	s28 =	simm.s32 $0x10C0;
	v23 =	vnsel vm2, $0x0, v5;
	v8 =	vmul.f32 v8, v17;
	v9 =	vmul.f32 v9, v17  }
0x11a: {  	v22 =	vmov s29;
	v15 =	vld [tilespmem:s28+$0x30];
	(xrf2) =	vadd.scan.msk.f32 $0xffff, v23;
	v14 =	vmul.f32 v10, v17;
	v24 =	vmul.f32 v13, v17  }
0x11b: {  	v16 =	vld [tilespmem:s28+$0xFFFFFFC0];
	v6 =	vimm.f32 $0.0e+00;
	v20 =	vmul.f32 v19, v17;
	v21 =	vmul.f32 v21, v17  }
0x11c: {  	v18 =	vld [tilespmem:s28+$0xFFFFFFD0];
	v7 =	vadd.f32 v7, v6;
	v10 =	vadd.f32 v9, v6;
	v9 =	vmul.f32 v12, v17;
	v12, _, _ =	vpop (xrf2)  }
0x11d: {  	v11 =	vadd.f32 v8, v6;
	v8 =	vadd.f32 v14, v6;
	v14 =	vld [tilespmem:s28+$0xFFFFFFE0];
	v13 =	vbroadcast v12, $0xF  }
0x11e: {  	s29 =	simm.s32 $0x4;
	v19 =	vld [tilespmem:s28+$0xFFFFFFF0];
	v17 =	vimm.f32 $0.0e+00;
	v12 =	vadd.f32 v24, v6;
	v9 =	vadd.f32 v9, v6  }
.LBB2_6:
0x11f: {  	p0 =	sne.s32 s29, $0xF;
	vm2 =	veq.s32 v22, v2;
	v22 =	vld [tilespmem:s28+$0x0];
	v15 =	vmul.f32 v15, v13;
	v6 =	vadd.f32 v20, v6;
	v23 =	vmovc v13  }
0x120: {  	vm2 =	vmand vm2, vm1;
	v13 =	vmul.f32 v16, v23;
	v20 =	vld [tilespmem:s28+$0x10];
	v17 =	vadd.f32 v21, v17  }
0x121: {  	v16 =	vnsel vm2, $0x0, v5;
	v18 =	vmul.f32 v18, v23;
	v21 =	vld [tilespmem:s28+$0x20];
	v7 =	vadd.f32 v15, v7;
	s28 =	sadd.s32 $0x80, s28  }
.Ltmp4:
0x122: {  	(xrf2) =	vadd.scan.msk.f32 $0xffff, v16;
	v15 =	vld [tilespmem:s28+$0x30];
	v11 =	vadd.f32 v13, v11;
	v13 =	vmul.f32 v14, v23;
	(pc) =	sbr.rel @p0 .LBB2_6-.Ltmp4, $4  }
0x123: {  	v16 =	vld [tilespmem:s28+$0xFFFFFFC0];
	v10 =	vadd.f32 v18, v10;
	v19 =	vmul.f32 v19, v23  }
0x124: {  	v18 =	vld [tilespmem:s28+$0xFFFFFFD0];
	v14, _, _ =	vpop (xrf2);
	v8 =	vadd.f32 v13, v8;
	v24 =	vmul.f32 v22, v23  }
0x125: {  	v13 =	vbroadcast v14, $0xF;
	v14 =	vld [tilespmem:s28+$0xFFFFFFE0];
	v9 =	vadd.f32 v19, v9;
	v20 =	vmul.f32 v20, v23  }
0x126: {  	v22 =	vmov s29;
	s29 =	sadd.s32 $0x1, s29;
	v19 =	vld [tilespmem:s28+$0xFFFFFFF0];
	v12 =	vadd.f32 v24, v12;
	v21 =	vmul.f32 v21, v23  }
0x127: {  	vm2 =	veq.s32 v22, v2;
	v33 =	vld [tilespmem:s28+$0x0]  }
0x128: {  	v23 =	vld [tilespmem:s28+$0x10];
	vm2 =	vmand vm2, vm1  }
0x129: {  	v24 =	vld [tilespmem:s28+$0x20];
	s30 =	sadd.s32 $0x80, s28;
	v5 =	vnsel vm2, $0x0, v5  }
0x12a: {  	v25 =	vld [tilespmem:s30+$0xFFFFFFC0];
	(xrf2) =	vadd.scan.msk.f32 $0xffff, v5  }
0x12b: {  	v26 =	vld [tilespmem:s30+$0xFFFFFFD0]  }
0x12c: {  	v27 =	vld [tilespmem:s30+$0xFFFFFFE0]  }
0x12d: {  	v28 =	vld [tilespmem:s30+$0xFFFFFFF0]  }
0x12e: {  	v15 =	vmul.f32 v15, v13;
	v16 =	vmul.f32 v16, v13;
	v34 =	vld [tilespmem:s30+$0x0]  }
0x12f: {  	v6 =	vadd.f32 v20, v6;
	v17 =	vadd.f32 v21, v17;
	v35 =	vld [tilespmem:s30+$0x10];
	v18 =	vmul.f32 v18, v13  }
0x130: {  	v39 =	vld [tilespmem:s30+$0x20];
	v7 =	vadd.f32 v15, v7;
	v11 =	vadd.f32 v16, v11;
	v14 =	vmul.f32 v14, v13;
	v37, _, _ =	vpop (xrf2)  }
0x131: {  	s28 =	sadd.s32 $0x80, s30;
	v5 =	vld [tilespmem:s30+$0x30];
	v10 =	vadd.f32 v18, v10;
	v36 =	vmul.f32 v19, v13;
	v40 =	vbroadcast v37, $0xF  }
0x132: {  	v42 =	vld [tilespmem:s28+$0xFFFFFFC0];
	v38 =	vmul.f32 v33, v13;
	v8 =	vadd.f32 v14, v8;
	v41 =	vmul.f32 v23, v13  }
0x133: {  	v44 =	vld [tilespmem:s28+$0xFFFFFFD0];
	v43 =	vmul.f32 v24, v13;
	v9 =	vadd.f32 v36, v9;
	v45 =	vmul.f32 v25, v40  }
0x134: {  	v48 =	vld [tilespmem:s28+$0xFFFFFFE0];
	v12 =	vadd.f32 v38, v12;
	v46 =	vmul.f32 v26, v40;
	v49 =	vmul.f32 v27, v40;
	v47, _, _ =	vpop (xrf2)  }
0x135: {  	v50 =	vld [tilespmem:s28+$0xFFFFFFF0];
	v6 =	vadd.f32 v41, v6;
	v51 =	vmul.f32 v28, v40;
	v23 =	vbroadcast v47, $0xF  }
0x136: {  	v52 =	vld [tilespmem:s28+$0x0];
	v13 =	vadd.f32 v43, v17;
	v20 =	vmul.f32 v34, v40;
	v5 =	vmul.f32 v5, v40  }
0x137: {  	v54 =	vld [tilespmem:s28+$0x10];
	v15 =	vmul.f32 v35, v40;
	v11 =	vadd.f32 v45, v11;
	v53 =	vmul.f32 v42, v23  }
0x138: {  	v55 =	vld [tilespmem:s28+$0x20];
	v14 =	vmul.f32 v39, v40;
	v10 =	vadd.f32 v46, v10;
	v16 =	vmul.f32 v44, v23  }
0x139: {  	s31 =	sshll.u32 s26, $0x7;
	v56 =	vld [tilespmem:s28+$0x30];
	v8 =	vadd.f32 v49, v8;
	v57 =	vmul.f32 v48, v23;
	v11 =	vadd.f32 v53, v11  }
0x13a: {  	s28 =	sand.u32 $0x3FFFFF80, s31;
	v9 =	vadd.f32 v51, v9;
	v58 =	vmul.f32 v50, v23;
	v10 =	vadd.f32 v16, v10  }
0x13b: {  	v12 =	vadd.f32 v20, v12;
	v59 =	vmul.f32 v52, v23;
	v8 =	vadd.f32 v57, v8;
	[tilespmem:s28+$0x5800] =	vst.add.f32.msk $0xffff, v11  }
0x13c: {  	s26 =	sadd.s32 $0x1, s26;
	v6 =	vadd.f32 v15, v6;
	v60 =	vmul.f32 v54, v23;
	v9 =	vadd.f32 v58, v9;
	[tilespmem:s28+$0x5810] =	vst.add.f32.msk $0xffff, v10  }
0x13d: {  	p0 =	sne.s32 s26, $0x4;
	v61 =	vadd.f32 v14, v13;
	v62 =	vmul.f32 v55, v23;
	v12 =	vadd.f32 v59, v12;
	[tilespmem:s28+$0x5820] =	vst.add.f32.msk $0xffff, v8  }
.Ltmp5:
0x13e: {  	v5 =	vadd.f32 v5, v7;
	v7 =	vmul.f32 v56, v23;
	v6 =	vadd.f32 v60, v6;
	[tilespmem:s28+$0x5830] =	vst.add.f32.msk $0xffff, v9;
	(pc) =	sbr.rel @p0 .LBB2_5-.Ltmp5, $4  }
0x13f: {  	v63 =	vadd.f32 v62, v61;
	[tilespmem:s28+$0x5840] =	vst.add.f32.msk $0xffff, v12  }
0x140: {  	v5 =	vadd.f32 v7, v5;
	[tilespmem:s28+$0x5850] =	vst.add.f32.msk $0xffff, v6  }
0x141: {  	[tilespmem:s28+$0x5860] =	vst.add.f32.msk $0xffff, v63  }
0x142: {  	[tilespmem:s28+$0x5870] =	vst.add.f32.msk $0xffff, v5  }
0x143: {  	s25 =	sadd.s32 $0x1, s25  }
0x144: {  	p0 =	sne.s32 s25, s24  }
.Ltmp6:
0x145: {  	_ = 	snop;
	(pc) =	sbr.rel @p0 .LBB2_4-.Ltmp6, $4  }
.Ltmp7:
0x146: {  	_ = 	snop;
	(pc) =	sbr.rel @!p0 .LBB2_9-.Ltmp7, $4  }
0x147: {  	_ = 	snop  }
0x148: {  	_ = 	snop  }
0x149: {  	_ = 	snop  }
0x14a: {  	_ = 	snop  }
.LBB2_10:
0x14b: {  	_ =	sfence.sel $0x180000  }
0x14c: {  	[bflag:$0x0] =	sbarrier.arrive $0xFFFF  }
0x14d: {  	p0 =	sne.s32 s1, $0x0;
	_ =	strace $0x90000047  }
0x14e: {  	s0 =	sadd.s32 @!p0 $0x100000, s0;
	[bflag:$0x2] =	sbarrier.arrive $0xFFFF  }
0x14f: {  	[sflag:s0] =	ssyncadd.tile.s32 @!p0 $0x1;
	_ =	shalt  }
.Lfunc_end2:
_tile_overlayer_lowered:
.L_overlay_start_2:
0x150: {  	(tag) =	ssettag $0x2  }
0x151: {  	s0 =	rddreg [dreg:$0x0];
	s2 =	stileid.u32  }
0x152: {  	s1 =	rddreg [dreg:$0x1];
	p0 =	sne.s32 s2, $0x0  }
0x153: {  	s3 =	rddreg [dreg:$0x2];
	[bflag:$0x3] =	sbarrier.arrive $0xFFFF;
	s2 =	simm.s32 @!p0 $0x1C02  }
0x154: {  	[timem:s3], [sflag:s2] =	dma.local @!p0 [hbm:s0], s1  }
0x155: {  	s0 =	simm.s32 @!p0 $0x2  }
0x156: {  	_ =	swait.ge @!p0 [sflag:s0], s1  }
0x157: {  	s1 =	ssub.s32 @!p0 $0x0, s1;
	[sflag:s0] =	ssyncset.done @!p0 $0x0  }
0x158: {  	[sflag:s0] =	ssyncadd.s32 @!p0 s1  }
0x159: {  	[bflag:$0x3] =	sbarrier.arrive $0xFFFF  }
0x15a: {  	_ =	shalt  }

</sc_bundles>
